<compile_context>
chip_gen: v7x
topology: tpu7x:2x2x1
jax: 0.10.2.dev20260603
libtpu: 0.0.44.dev20260713+nightly
codegen_flags: <defaults>
</compile_context>

<pallas_src>
import numpy as np

import jax
import jax.numpy as jnp
from jax import lax
from jax.experimental import pallas as pl
from jax.experimental.pallas import tpu as pltpu
from jax.experimental.pallas import tpu_sc as plsc

B = 4096
N_DENSE = 13
F = 26
V = 100000
E = 16
EPS = 1e-3

LANES = 16
NC, NS = 2, 16
NW = NC * NS
BW = B // NW
ROWS = BW * F
CHUNK = 128
NCHUNK = ROWS // CHUNK
KPC = CHUNK // LANES

_FIELD_OFFS = ((np.arange(ROWS, dtype=np.int64) % F) * V).astype(np.int32).reshape(NCHUNK, CHUNK)


def _fm_pool_body(sparse_hbm, offs_hbm, table_hbm, out_hbm, idx_v, offs_v, rows_v, out_v, sem):
    wid = lax.axis_index("s") * NC + lax.axis_index("c")
    pltpu.sync_copy(sparse_hbm.at[wid], idx_v)
    pltpu.sync_copy(offs_hbm, offs_v)

    def adj(i, c):
        j = i // KPC
        k = i - j * KPC
        sl = pl.ds(k * LANES, LANES)
        idx_v[j, sl] = idx_v[j, sl] + offs_v[j, sl]
        return c

    lax.fori_loop(0, NCHUNK * KPC, adj, 0)

    copies = [
        pltpu.async_copy(table_hbm.at[idx_v.at[j]], rows_v.at[pl.ds(j * CHUNK, CHUNK)], sem)
        for j in range(NCHUNK)
    ]
    for c in copies:
        c.wait()

    def body(b, c):
        base = b * F
        s = jnp.zeros((LANES,), jnp.float32)
        ss = jnp.zeros((LANES,), jnp.float32)
        for f in range(F):
            r = rows_v[base + f, :]
            s = s + r
            ss = ss + r * r
        out_v[b, :] = 0.5 * (s * s - ss)
        return c

    lax.fori_loop(0, BW, body, 0)
    pltpu.sync_copy(out_v, out_hbm.at[pl.ds(wid * BW, BW)])


def _fm_pool(sparse2d, offs, table2d):
    mesh = plsc.VectorSubcoreMesh(core_axis_name="c", subcore_axis_name="s")
    return pl.kernel(
        _fm_pool_body,
        out_type=jax.ShapeDtypeStruct((B, E), jnp.float32),
        mesh=mesh,
        compiler_params=pltpu.CompilerParams(use_tc_tiling_on_sc=False),
        scratch_types=[
            pltpu.VMEM((NCHUNK, CHUNK), jnp.int32),
            pltpu.VMEM((NCHUNK, CHUNK), jnp.int32),
            pltpu.VMEM((ROWS, E), jnp.float32),
            pltpu.VMEM((BW, E), jnp.float32),
            pltpu.SemaphoreType.DMA,
        ],
    )(sparse2d, offs, table2d)


PBLK = 12544
PGRID = -(-V // PBLK)


def _pack_body(t_ref, o_ref):
    x = t_ref[...]
    eye = jnp.eye(E, dtype=jnp.float32)
    o_ref[0] = lax.dot_general(x, eye, (((0,), (0,)), ((), ())),
                               preferred_element_type=jnp.float32)


def _pack(tablesT2d):
    return pl.pallas_call(
        _pack_body,
        grid=(F, PGRID),
        in_specs=[pl.BlockSpec((E, PBLK), lambda f, c: (f, c))],
        out_specs=pl.BlockSpec((1, PBLK, E), lambda f, c: (f, c, 0)),
        out_shape=jax.ShapeDtypeStruct((F, V, E), jnp.float32),
    )(tablesT2d)


def _mlp_body(d_ref, e_ref, gd_ref, ge_ref, bd_ref, be_ref,
              w1a_ref, w1b_ref, b1_ref, w2_ref, b2_ref, w3_ref, b3_ref,
              wo_ref, bo_ref, o_ref):
    d = d_ref[:]
    e = e_ref[:]
    md = jnp.mean(d, axis=0, keepdims=True)
    dc = d - md
    vd = jnp.mean(dc * dc, axis=0, keepdims=True)
    dn = gd_ref[:] * dc * lax.rsqrt(vd + EPS) + bd_ref[:]
    me = jnp.mean(e, axis=0, keepdims=True)
    ec = e - me
    ve = jnp.mean(ec * ec, axis=0, keepdims=True)
    en = ge_ref[:] * ec * lax.rsqrt(ve + EPS) + be_ref[:]
    h = (jnp.dot(dn, w1a_ref[:], preferred_element_type=jnp.float32)
         + jnp.dot(en, w1b_ref[:], preferred_element_type=jnp.float32)
         + b1_ref[:])
    h = jnp.maximum(h, 0.0)
    h = jnp.maximum(jnp.dot(h, w2_ref[:], preferred_element_type=jnp.float32) + b2_ref[:], 0.0)
    h = jnp.maximum(jnp.dot(h, w3_ref[:], preferred_element_type=jnp.float32) + b3_ref[:], 0.0)
    o_ref[:] = jax.nn.sigmoid(
        jnp.dot(h, wo_ref[:], preferred_element_type=jnp.float32) + bo_ref[:])


def kernel(dense_inputs, sparse_inputs, tables, gamma, beta, W1, b1, W2, b2, W3, b3, Wout, bout):
    tablesT2d = jnp.transpose(tables, (0, 2, 1)).reshape(F * E, V)
    table2d = _pack(tablesT2d).reshape(F * V, E)
    sparse2d = sparse_inputs.astype(jnp.int32).reshape(NW, NCHUNK, CHUNK)
    offs = jnp.asarray(_FIELD_OFFS)

    bi = _fm_pool(sparse2d, offs, table2d)

    gd = gamma[:N_DENSE].reshape(1, N_DENSE)
    ge = gamma[N_DENSE:].reshape(1, E)
    bd = beta[:N_DENSE].reshape(1, N_DENSE)
    be = beta[N_DENSE:].reshape(1, E)
    w1a = W1[:N_DENSE]
    w1b = W1[N_DENSE:]

    out = pl.pallas_call(
        _mlp_body,
        out_shape=jax.ShapeDtypeStruct((B, 1), jnp.float32),
    )(dense_inputs, bi, gd, ge, bd, be,
      w1a, w1b, b1.reshape(1, -1), W2, b2.reshape(1, -1), W3, b3.reshape(1, -1),
      Wout, bout.reshape(1, -1))
    return out

# --- scband reference (transcript-rebuilt; emitter-appended) ---
"""Pipeline reference for scband-nfm-38697655337140 (READ-ONLY COPY).

The authoritative reference and input builder live on the scoring server;
editing this copy changes nothing except your own understanding.
"""

import jax, jax.numpy as jnp
import numpy as np

B = 4096
N_DENSE = 13
N_SPARSE = 26
VOCAB = 100000
EMB = 16
HIDDEN = [256, 128, 64]
BN_EPS = 1e-3


def setup_inputs(seed: int = 0) -> dict:
    key = jax.random.key(seed)
    ks = jax.random.split(key, 12)
    dense_inputs = jax.random.normal(ks[0], (B, N_DENSE), dtype=jnp.float32)
    sparse_inputs = jax.random.randint(ks[1], (B, N_SPARSE), 0, VOCAB)
    # stacked embedding tables (one per sparse field), keras 'random_uniform' init
    tables = jax.random.uniform(ks[2], (N_SPARSE, VOCAB, EMB), minval=-0.05, maxval=0.05, dtype=jnp.float32)
    d_in = N_DENSE + EMB
    gamma = jnp.ones((d_in,), dtype=jnp.float32)
    beta = jnp.zeros((d_in,), dtype=jnp.float32)
    W1 = jax.random.normal(ks[3], (d_in, HIDDEN[0]), dtype=jnp.float32) * 0.05
    b1 = jnp.zeros((HIDDEN[0],), dtype=jnp.float32)
    W2 = jax.random.normal(ks[4], (HIDDEN[0], HIDDEN[1]), dtype=jnp.float32) * 0.05
    b2 = jnp.zeros((HIDDEN[1],), dtype=jnp.float32)
    W3 = jax.random.normal(ks[5], (HIDDEN[1], HIDDEN[2]), dtype=jnp.float32) * 0.05
    b3 = jnp.zeros((HIDDEN[2],), dtype=jnp.float32)
    Wout = jax.random.normal(ks[6], (HIDDEN[2], 1), dtype=jnp.float32) * 0.05
    bout = jnp.zeros((1,), dtype=jnp.float32)
    return {
        'dense_inputs': dense_inputs,
        'sparse_inputs': sparse_inputs,
        'tables': tables,
        'gamma': gamma,
        'beta': beta,
        'W1': W1, 'b1': b1,
        'W2': W2, 'b2': b2,
        'W3': W3, 'b3': b3,
        'Wout': Wout, 'bout': bout,
    }


def reference(dense_inputs, sparse_inputs, tables, gamma, beta, W1, b1, W2, b2, W3, b3, Wout, bout):
    # per-field embedding lookups -> [B, N_SPARSE, EMB]
    embed = jnp.stack([jnp.take(tables[i], sparse_inputs[:, i], axis=0) for i in range(N_SPARSE)], axis=1)
    # Bi-Interaction pooling: 0.5 * ((sum_i e_i)^2 - sum_i e_i^2)
    s = jnp.sum(embed, axis=1)
    bi = 0.5 * (s * s - jnp.sum(embed * embed, axis=1))
    x = jnp.concatenate([dense_inputs, bi], axis=-1)
    # dropout: identity at inference
    # batch norm (training-mode batch statistics)
    mean = jnp.mean(x, axis=0)
    var = jnp.var(x, axis=0)
    x = gamma * (x - mean) / jnp.sqrt(var + BN_EPS) + beta
    x = jax.nn.relu(x @ W1 + b1)
    x = jax.nn.relu(x @ W2 + b2)
    x = jax.nn.relu(x @ W3 + b3)
    out = jax.nn.sigmoid(x @ Wout + bout)
    return out

if __name__ == "__main__":
    import jax
    _d = setup_inputs()
    print(jax.jit(kernel)(*tuple(_d.values())))

</pallas_src>

<mosaic_0001>
#map = affine_map<(d0, d1) -> (0, 0, 0)>
#map1 = affine_map<(d0, d1) -> (0, 0)>
module attributes {stable_mosaic.version = 14 : i64} {
  func.func @_fm_pool_body(%arg0: i32, %arg1: i32, %arg2: memref<32x26x128xi32, #tpu.memory_space<hbm>>, %arg3: memref<26x128xi32, #tpu.memory_space<hbm>>, %arg4: memref<2600000x16xf32, #tpu.memory_space<hbm>>, %arg5: memref<4096x16xf32, #tpu.memory_space<hbm>>, %arg6: memref<26x128xi32, #tpu.memory_space<vmem>>, %arg7: memref<26x128xi32, #tpu.memory_space<vmem>>, %arg8: memref<3328x16xf32, #tpu.memory_space<vmem>>, %arg9: memref<128x16xf32, #tpu.memory_space<vmem>>, %arg10: memref<!tpu.dma_semaphore, #tpu.memory_space<semaphore_mem>>) attributes {dimension_semantics = [#tpu.dimension_semantics<core_parallel>, #tpu.dimension_semantics<subcore_parallel>], iteration_bounds = array<i64: 2, 16>, scalar_prefetch = 0 : i64, scratch_operands = 5 : i64, tpu.core_type = #tpu.core_type<sc_vector_subcore>, window_params = [{transform_indices = #map}, {transform_indices = #map1}, {transform_indices = #map1}, {transform_indices = #map1}]} {
    %mul3A = arith.constant 2 : i32
    %mul3A_0 = arith.muli %arg1, %mul3A : i32
    %add3A = arith.addi %mul3A_0, %arg0 : i32
    "tpu.region"() ({
      %run_scoped3A = tpu.sem_alloc : memref<!tpu.dma_semaphore, #tpu.memory_space<semaphore_mem>>
      %dma_start3A_532 = arith.constant 0 : i32
      %dma_start3A_533 = arith.constant 0 : i32
      %dma_start3A_534 = tpu.memref_slice %arg2[%add3A, %dma_start3A_532, %dma_start3A_533] : memref<32x26x128xi32, #tpu.memory_space<hbm>> -> memref<1x26x128xi32, #tpu.memory_space<hbm>>
      %dma_start3A_535 = tpu.memref_squeeze %dma_start3A_534 : memref<1x26x128xi32, #tpu.memory_space<hbm>> -> memref<26x128xi32, #tpu.memory_space<hbm>>
      %dma_start3A_536 = arith.constant 0 : i32
      %dma_start3A_537 = arith.constant 0 : i32
      %dma_start3A_538 = tpu.memref_slice %arg2[%add3A, %dma_start3A_536, %dma_start3A_537] : memref<32x26x128xi32, #tpu.memory_space<hbm>> -> memref<1x26x128xi32, #tpu.memory_space<hbm>>
      %dma_start3A_539 = tpu.memref_squeeze %dma_start3A_538 : memref<1x26x128xi32, #tpu.memory_space<hbm>> -> memref<26x128xi32, #tpu.memory_space<hbm>>
      tpu.enqueue_dma source(%dma_start3A_539 : memref<26x128xi32, #tpu.memory_space<hbm>>) target(%arg6 : memref<26x128xi32, #tpu.memory_space<vmem>>) target_semaphore(%run_scoped3A : memref<!tpu.dma_semaphore, #tpu.memory_space<semaphore_mem>>)
      %dma_wait3A_540 = arith.constant 0 : i32
      %dma_wait3A_541 = arith.constant 0 : i32
      %dma_wait3A_542 = tpu.memref_slice %arg2[%add3A, %dma_wait3A_540, %dma_wait3A_541] : memref<32x26x128xi32, #tpu.memory_space<hbm>> -> memref<1x26x128xi32, #tpu.memory_space<hbm>>
      %dma_wait3A_543 = tpu.memref_squeeze %dma_wait3A_542 : memref<1x26x128xi32, #tpu.memory_space<hbm>> -> memref<26x128xi32, #tpu.memory_space<hbm>>
      %dma_wait3A_544 = arith.constant 0 : i32
      %dma_wait3A_545 = arith.constant 0 : i32
      %dma_wait3A_546 = tpu.memref_slice %arg2[%add3A, %dma_wait3A_544, %dma_wait3A_545] : memref<32x26x128xi32, #tpu.memory_space<hbm>> -> memref<1x26x128xi32, #tpu.memory_space<hbm>>
      %dma_wait3A_547 = tpu.memref_squeeze %dma_wait3A_546 : memref<1x26x128xi32, #tpu.memory_space<hbm>> -> memref<26x128xi32, #tpu.memory_space<hbm>>
      tpu.wait_dma2 semaphore(%run_scoped3A : memref<!tpu.dma_semaphore, #tpu.memory_space<semaphore_mem>>) src(%dma_wait3A_547 : memref<26x128xi32, #tpu.memory_space<hbm>>) dst(%arg6 : memref<26x128xi32, #tpu.memory_space<vmem>>)
      tpu.yield
    }) : () -> ()
    "tpu.region"() ({
      %run_scoped3A = tpu.sem_alloc : memref<!tpu.dma_semaphore, #tpu.memory_space<semaphore_mem>>
      tpu.enqueue_dma source(%arg3 : memref<26x128xi32, #tpu.memory_space<hbm>>) target(%arg7 : memref<26x128xi32, #tpu.memory_space<vmem>>) target_semaphore(%run_scoped3A : memref<!tpu.dma_semaphore, #tpu.memory_space<semaphore_mem>>)
      tpu.wait_dma2 semaphore(%run_scoped3A : memref<!tpu.dma_semaphore, #tpu.memory_space<semaphore_mem>>) src(%arg3 : memref<26x128xi32, #tpu.memory_space<hbm>>) dst(%arg7 : memref<26x128xi32, #tpu.memory_space<vmem>>)
      tpu.yield
    }) : () -> ()
    %scan3A = arith.constant 0 : i32
    %scan3A_1 = arith.constant 0 : i32
    %scan3A_2 = arith.constant 208 : i32
    %scan3A_3 = arith.addi %scan3A_1, %scan3A_2 : i32
    %scan3A_4 = arith.constant 1 : i32
    scf.for %scan3A_532 = %scan3A_1 to %scan3A_3 step %scan3A_4  : i32 {
      %jit3A = arith.constant 8 : i32
      %div3A = arith.divsi %scan3A_532, %jit3A : i32
      %sign3A = arith.constant 0 : i32
      %sign3A_533 = arith.cmpi sgt, %scan3A_532, %sign3A : i32
      %sign3A_534 = arith.extui %sign3A_533 : i1 to i32
      %sign3A_535 = arith.constant 0 : i32
      %sign3A_536 = arith.cmpi slt, %scan3A_532, %sign3A_535 : i32
      %sign3A_537 = arith.extui %sign3A_536 : i1 to i32
      %sign3A_538 = arith.subi %sign3A_534, %sign3A_537 : i32
      %sign3A_539 = arith.constant 0 : i32
      %sign3A_540 = arith.cmpi sgt, %jit3A, %sign3A_539 : i32
      %sign3A_541 = arith.extui %sign3A_540 : i1 to i32
      %sign3A_542 = arith.constant 0 : i32
      %sign3A_543 = arith.cmpi slt, %jit3A, %sign3A_542 : i32
      %sign3A_544 = arith.extui %sign3A_543 : i1 to i32
      %sign3A_545 = arith.subi %sign3A_541, %sign3A_544 : i32
      %ne3A = arith.cmpi ne, %sign3A_538, %sign3A_545 : i32
      %rem3A = arith.remsi %scan3A_532, %jit3A : i32
      %ne3A_546 = arith.constant 0 : i32
      %ne3A_547 = arith.cmpi ne, %rem3A, %ne3A_546 : i32
      %and3A = arith.andi %ne3A, %ne3A_547 : i1
      %sub3A = arith.constant 1 : i32
      %sub3A_548 = arith.subi %div3A, %sub3A : i32
      %select_n3A = arith.select %and3A, %sub3A_548, %div3A : i32
      %mul3A_549 = arith.constant 8 : i32
      %mul3A_550 = arith.muli %select_n3A, %mul3A_549 : i32
      %sub3A_551 = arith.subi %scan3A_532, %mul3A_550 : i32
      %mul3A_552 = arith.constant 16 : i32
      %mul3A_553 = arith.muli %sub3A_551, %mul3A_552 : i32
      %get3A = arith.index_cast %select_n3A : i32 to index
      %get3A_554 = arith.index_cast %mul3A_553 : i32 to index
      %get3A_555 = tpu.vector_load %arg6[%get3A, %get3A_554] {strides = array<i32>} : memref<26x128xi32, #tpu.memory_space<vmem>>, vector<1x16xi32>,
      %get3A_556 = vector.shape_cast %get3A_555 : vector<1x16xi32> to vector<16xi32>
      %get3A_557 = arith.index_cast %select_n3A : i32 to index
      %get3A_558 = arith.index_cast %mul3A_553 : i32 to index
      %get3A_559 = tpu.vector_load %arg7[%get3A_557, %get3A_558] {strides = array<i32>} : memref<26x128xi32, #tpu.memory_space<vmem>>, vector<1x16xi32>,
      %get3A_560 = vector.shape_cast %get3A_559 : vector<1x16xi32> to vector<16xi32>
      %add3A_561 = arith.addi %get3A_556, %get3A_560 : vector<16xi32>
      %swap3A = arith.index_cast %select_n3A : i32 to index
      %swap3A_562 = arith.index_cast %mul3A_553 : i32 to index
      %swap3A_563 = tpu.vector_load %arg6[%swap3A, %swap3A_562] {strides = array<i32>} : memref<26x128xi32, #tpu.memory_space<vmem>>, vector<1x16xi32>,
      %swap3A_564 = vector.shape_cast %swap3A_563 : vector<1x16xi32> to vector<16xi32>
      %swap3A_565 = vector.shape_cast %add3A_561 : vector<16xi32> to vector<1x16xi32>
      tpu.vector_store %arg6[%swap3A, %swap3A_562], %swap3A_565 {strides = array<i32>} : memref<26x128xi32, #tpu.memory_space<vmem>>, vector<1x16xi32>,
    }
    %scan3A_5 = arith.constant 208 : i32
    %dma_start3A = arith.constant 0 : i32
    %dma_start3A_6 = arith.constant 0 : i32
    %dma_start3A_7 = arith.constant 0 : i32
    %dma_start3A_8 = tpu.memref_slice %arg8[%dma_start3A_6, %dma_start3A_7] : memref<3328x16xf32, #tpu.memory_space<vmem>> -> memref<128x16xf32, #tpu.memory_space<vmem>>
    %dma_start3A_9 = arith.constant 0 : i32
    %dma_start3A_10 = tpu.memref_slice %arg6[%dma_start3A, %dma_start3A_9] : memref<26x128xi32, #tpu.memory_space<vmem>> -> memref<1x128xi32, #tpu.memory_space<vmem>>
    %dma_start3A_11 = tpu.memref_squeeze %dma_start3A_10 : memref<1x128xi32, #tpu.memory_space<vmem>> -> memref<128xi32, #tpu.memory_space<vmem>>
    %dma_start3A_12 = arith.constant 0 : i32
    %dma_start3A_13 = arith.constant 0 : i32
    %dma_start3A_14 = tpu.memref_slice %arg4[%dma_start3A_12, %dma_start3A_13] : memref<2600000x16xf32, #tpu.memory_space<hbm>> -> memref<2600000x16xf32, #tpu.memory_space<hbm>>
    tpu.enqueue_indirect_dma source(%dma_start3A_14 : memref<2600000x16xf32, #tpu.memory_space<hbm>>) target(%dma_start3A_8 : memref<128x16xf32, #tpu.memory_space<vmem>>) offsets(%dma_start3A_11 : memref<128xi32, #tpu.memory_space<vmem>>) semaphore(%arg10 : memref<!tpu.dma_semaphore, #tpu.memory_space<semaphore_mem>>)
    %dma_start3A_15 = arith.constant 1 : i32
    %dma_start3A_16 = arith.constant 128 : i32
    %dma_start3A_17 = arith.constant 0 : i32
    %dma_start3A_18 = tpu.memref_slice %arg8[%dma_start3A_16, %dma_start3A_17] : memref<3328x16xf32, #tpu.memory_space<vmem>> -> memref<128x16xf32, #tpu.memory_space<vmem>>
    %dma_start3A_19 = arith.constant 0 : i32
    %dma_start3A_20 = tpu.memref_slice %arg6[%dma_start3A_15, %dma_start3A_19] : memref<26x128xi32, #tpu.memory_space<vmem>> -> memref<1x128xi32, #tpu.memory_space<vmem>>
    %dma_start3A_21 = tpu.memref_squeeze %dma_start3A_20 : memref<1x128xi32, #tpu.memory_space<vmem>> -> memref<128xi32, #tpu.memory_space<vmem>>
    %dma_start3A_22 = arith.constant 0 : i32
    %dma_start3A_23 = arith.constant 0 : i32
    %dma_start3A_24 = tpu.memref_slice %arg4[%dma_start3A_22, %dma_start3A_23] : memref<2600000x16xf32, #tpu.memory_space<hbm>> -> memref<2600000x16xf32, #tpu.memory_space<hbm>>
    tpu.enqueue_indirect_dma source(%dma_start3A_24 : memref<2600000x16xf32, #tpu.memory_space<hbm>>) target(%dma_start3A_18 : memref<128x16xf32, #tpu.memory_space<vmem>>) offsets(%dma_start3A_21 : memref<128xi32, #tpu.memory_space<vmem>>) semaphore(%arg10 : memref<!tpu.dma_semaphore, #tpu.memory_space<semaphore_mem>>)
    %dma_start3A_25 = arith.constant 2 : i32
    %dma_start3A_26 = arith.constant 256 : i32
    %dma_start3A_27 = arith.constant 0 : i32
    %dma_start3A_28 = tpu.memref_slice %arg8[%dma_start3A_26, %dma_start3A_27] : memref<3328x16xf32, #tpu.memory_space<vmem>> -> memref<128x16xf32, #tpu.memory_space<vmem>>
    %dma_start3A_29 = arith.constant 0 : i32
    %dma_start3A_30 = tpu.memref_slice %arg6[%dma_start3A_25, %dma_start3A_29] : memref<26x128xi32, #tpu.memory_space<vmem>> -> memref<1x128xi32, #tpu.memory_space<vmem>>
    %dma_start3A_31 = tpu.memref_squeeze %dma_start3A_30 : memref<1x128xi32, #tpu.memory_space<vmem>> -> memref<128xi32, #tpu.memory_space<vmem>>
    %dma_start3A_32 = arith.constant 0 : i32
    %dma_start3A_33 = arith.constant 0 : i32
    %dma_start3A_34 = tpu.memref_slice %arg4[%dma_start3A_32, %dma_start3A_33] : memref<2600000x16xf32, #tpu.memory_space<hbm>> -> memref<2600000x16xf32, #tpu.memory_space<hbm>>
    tpu.enqueue_indirect_dma source(%dma_start3A_34 : memref<2600000x16xf32, #tpu.memory_space<hbm>>) target(%dma_start3A_28 : memref<128x16xf32, #tpu.memory_space<vmem>>) offsets(%dma_start3A_31 : memref<128xi32, #tpu.memory_space<vmem>>) semaphore(%arg10 : memref<!tpu.dma_semaphore, #tpu.memory_space<semaphore_mem>>)
    %dma_start3A_35 = arith.constant 3 : i32
    %dma_start3A_36 = arith.constant 384 : i32
    %dma_start3A_37 = arith.constant 0 : i32
    %dma_start3A_38 = tpu.memref_slice %arg8[%dma_start3A_36, %dma_start3A_37] : memref<3328x16xf32, #tpu.memory_space<vmem>> -> memref<128x16xf32, #tpu.memory_space<vmem>>
    %dma_start3A_39 = arith.constant 0 : i32
    %dma_start3A_40 = tpu.memref_slice %arg6[%dma_start3A_35, %dma_start3A_39] : memref<26x128xi32, #tpu.memory_space<vmem>> -> memref<1x128xi32, #tpu.memory_space<vmem>>
    %dma_start3A_41 = tpu.memref_squeeze %dma_start3A_40 : memref<1x128xi32, #tpu.memory_space<vmem>> -> memref<128xi32, #tpu.memory_space<vmem>>
    %dma_start3A_42 = arith.constant 0 : i32
    %dma_start3A_43 = arith.constant 0 : i32
    %dma_start3A_44 = tpu.memref_slice %arg4[%dma_start3A_42, %dma_start3A_43] : memref<2600000x16xf32, #tpu.memory_space<hbm>> -> memref<2600000x16xf32, #tpu.memory_space<hbm>>
    tpu.enqueue_indirect_dma source(%dma_start3A_44 : memref<2600000x16xf32, #tpu.memory_space<hbm>>) target(%dma_start3A_38 : memref<128x16xf32, #tpu.memory_space<vmem>>) offsets(%dma_start3A_41 : memref<128xi32, #tpu.memory_space<vmem>>) semaphore(%arg10 : memref<!tpu.dma_semaphore, #tpu.memory_space<semaphore_mem>>)
    %dma_start3A_45 = arith.constant 4 : i32
    %dma_start3A_46 = arith.constant 512 : i32
    %dma_start3A_47 = arith.constant 0 : i32
    %dma_start3A_48 = tpu.memref_slice %arg8[%dma_start3A_46, %dma_start3A_47] : memref<3328x16xf32, #tpu.memory_space<vmem>> -> memref<128x16xf32, #tpu.memory_space<vmem>>
    %dma_start3A_49 = arith.constant 0 : i32
    %dma_start3A_50 = tpu.memref_slice %arg6[%dma_start3A_45, %dma_start3A_49] : memref<26x128xi32, #tpu.memory_space<vmem>> -> memref<1x128xi32, #tpu.memory_space<vmem>>
    %dma_start3A_51 = tpu.memref_squeeze %dma_start3A_50 : memref<1x128xi32, #tpu.memory_space<vmem>> -> memref<128xi32, #tpu.memory_space<vmem>>
    %dma_start3A_52 = arith.constant 0 : i32
    %dma_start3A_53 = arith.constant 0 : i32
    %dma_start3A_54 = tpu.memref_slice %arg4[%dma_start3A_52, %dma_start3A_53] : memref<2600000x16xf32, #tpu.memory_space<hbm>> -> memref<2600000x16xf32, #tpu.memory_space<hbm>>
    tpu.enqueue_indirect_dma source(%dma_start3A_54 : memref<2600000x16xf32, #tpu.memory_space<hbm>>) target(%dma_start3A_48 : memref<128x16xf32, #tpu.memory_space<vmem>>) offsets(%dma_start3A_51 : memref<128xi32, #tpu.memory_space<vmem>>) semaphore(%arg10 : memref<!tpu.dma_semaphore, #tpu.memory_space<semaphore_mem>>)
    %dma_start3A_55 = arith.constant 5 : i32
    %dma_start3A_56 = arith.constant 640 : i32
    %dma_start3A_57 = arith.constant 0 : i32
    %dma_start3A_58 = tpu.memref_slice %arg8[%dma_start3A_56, %dma_start3A_57] : memref<3328x16xf32, #tpu.memory_space<vmem>> -> memref<128x16xf32, #tpu.memory_space<vmem>>
    %dma_start3A_59 = arith.constant 0 : i32
    %dma_start3A_60 = tpu.memref_slice %arg6[%dma_start3A_55, %dma_start3A_59] : memref<26x128xi32, #tpu.memory_space<vmem>> -> memref<1x128xi32, #tpu.memory_space<vmem>>
    %dma_start3A_61 = tpu.memref_squeeze %dma_start3A_60 : memref<1x128xi32, #tpu.memory_space<vmem>> -> memref<128xi32, #tpu.memory_space<vmem>>
    %dma_start3A_62 = arith.constant 0 : i32
    %dma_start3A_63 = arith.constant 0 : i32
    %dma_start3A_64 = tpu.memref_slice %arg4[%dma_start3A_62, %dma_start3A_63] : memref<2600000x16xf32, #tpu.memory_space<hbm>> -> memref<2600000x16xf32, #tpu.memory_space<hbm>>
    tpu.enqueue_indirect_dma source(%dma_start3A_64 : memref<2600000x16xf32, #tpu.memory_space<hbm>>) target(%dma_start3A_58 : memref<128x16xf32, #tpu.memory_space<vmem>>) offsets(%dma_start3A_61 : memref<128xi32, #tpu.memory_space<vmem>>) semaphore(%arg10 : memref<!tpu.dma_semaphore, #tpu.memory_space<semaphore_mem>>)
    %dma_start3A_65 = arith.constant 6 : i32
    %dma_start3A_66 = arith.constant 768 : i32
    %dma_start3A_67 = arith.constant 0 : i32
    %dma_start3A_68 = tpu.memref_slice %arg8[%dma_start3A_66, %dma_start3A_67] : memref<3328x16xf32, #tpu.memory_space<vmem>> -> memref<128x16xf32, #tpu.memory_space<vmem>>
    %dma_start3A_69 = arith.constant 0 : i32
    %dma_start3A_70 = tpu.memref_slice %arg6[%dma_start3A_65, %dma_start3A_69] : memref<26x128xi32, #tpu.memory_space<vmem>> -> memref<1x128xi32, #tpu.memory_space<vmem>>
    %dma_start3A_71 = tpu.memref_squeeze %dma_start3A_70 : memref<1x128xi32, #tpu.memory_space<vmem>> -> memref<128xi32, #tpu.memory_space<vmem>>
    %dma_start3A_72 = arith.constant 0 : i32
    %dma_start3A_73 = arith.constant 0 : i32
    %dma_start3A_74 = tpu.memref_slice %arg4[%dma_start3A_72, %dma_start3A_73] : memref<2600000x16xf32, #tpu.memory_space<hbm>> -> memref<2600000x16xf32, #tpu.memory_space<hbm>>
    tpu.enqueue_indirect_dma source(%dma_start3A_74 : memref<2600000x16xf32, #tpu.memory_space<hbm>>) target(%dma_start3A_68 : memref<128x16xf32, #tpu.memory_space<vmem>>) offsets(%dma_start3A_71 : memref<128xi32, #tpu.memory_space<vmem>>) semaphore(%arg10 : memref<!tpu.dma_semaphore, #tpu.memory_space<semaphore_mem>>)
    %dma_start3A_75 = arith.constant 7 : i32
    %dma_start3A_76 = arith.constant 896 : i32
    %dma_start3A_77 = arith.constant 0 : i32
    %dma_start3A_78 = tpu.memref_slice %arg8[%dma_start3A_76, %dma_start3A_77] : memref<3328x16xf32, #tpu.memory_space<vmem>> -> memref<128x16xf32, #tpu.memory_space<vmem>>
    %dma_start3A_79 = arith.constant 0 : i32
    %dma_start3A_80 = tpu.memref_slice %arg6[%dma_start3A_75, %dma_start3A_79] : memref<26x128xi32, #tpu.memory_space<vmem>> -> memref<1x128xi32, #tpu.memory_space<vmem>>
    %dma_start3A_81 = tpu.memref_squeeze %dma_start3A_80 : memref<1x128xi32, #tpu.memory_space<vmem>> -> memref<128xi32, #tpu.memory_space<vmem>>
    %dma_start3A_82 = arith.constant 0 : i32
    %dma_start3A_83 = arith.constant 0 : i32
    %dma_start3A_84 = tpu.memref_slice %arg4[%dma_start3A_82, %dma_start3A_83] : memref<2600000x16xf32, #tpu.memory_space<hbm>> -> memref<2600000x16xf32, #tpu.memory_space<hbm>>
    tpu.enqueue_indirect_dma source(%dma_start3A_84 : memref<2600000x16xf32, #tpu.memory_space<hbm>>) target(%dma_start3A_78 : memref<128x16xf32, #tpu.memory_space<vmem>>) offsets(%dma_start3A_81 : memref<128xi32, #tpu.memory_space<vmem>>) semaphore(%arg10 : memref<!tpu.dma_semaphore, #tpu.memory_space<semaphore_mem>>)
    %dma_start3A_85 = arith.constant 8 : i32
    %dma_start3A_86 = arith.constant 1024 : i32
    %dma_start3A_87 = arith.constant 0 : i32
    %dma_start3A_88 = tpu.memref_slice %arg8[%dma_start3A_86, %dma_start3A_87] : memref<3328x16xf32, #tpu.memory_space<vmem>> -> memref<128x16xf32, #tpu.memory_space<vmem>>
    %dma_start3A_89 = arith.constant 0 : i32
    %dma_start3A_90 = tpu.memref_slice %arg6[%dma_start3A_85, %dma_start3A_89] : memref<26x128xi32, #tpu.memory_space<vmem>> -> memref<1x128xi32, #tpu.memory_space<vmem>>
    %dma_start3A_91 = tpu.memref_squeeze %dma_start3A_90 : memref<1x128xi32, #tpu.memory_space<vmem>> -> memref<128xi32, #tpu.memory_space<vmem>>
    %dma_start3A_92 = arith.constant 0 : i32
    %dma_start3A_93 = arith.constant 0 : i32
    %dma_start3A_94 = tpu.memref_slice %arg4[%dma_start3A_92, %dma_start3A_93] : memref<2600000x16xf32, #tpu.memory_space<hbm>> -> memref<2600000x16xf32, #tpu.memory_space<hbm>>
    tpu.enqueue_indirect_dma source(%dma_start3A_94 : memref<2600000x16xf32, #tpu.memory_space<hbm>>) target(%dma_start3A_88 : memref<128x16xf32, #tpu.memory_space<vmem>>) offsets(%dma_start3A_91 : memref<128xi32, #tpu.memory_space<vmem>>) semaphore(%arg10 : memref<!tpu.dma_semaphore, #tpu.memory_space<semaphore_mem>>)
    %dma_start3A_95 = arith.constant 9 : i32
    %dma_start3A_96 = arith.constant 1152 : i32
    %dma_start3A_97 = arith.constant 0 : i32
    %dma_start3A_98 = tpu.memref_slice %arg8[%dma_start3A_96, %dma_start3A_97] : memref<3328x16xf32, #tpu.memory_space<vmem>> -> memref<128x16xf32, #tpu.memory_space<vmem>>
    %dma_start3A_99 = arith.constant 0 : i32
    %dma_start3A_100 = tpu.memref_slice %arg6[%dma_start3A_95, %dma_start3A_99] : memref<26x128xi32, #tpu.memory_space<vmem>> -> memref<1x128xi32, #tpu.memory_space<vmem>>
    %dma_start3A_101 = tpu.memref_squeeze %dma_start3A_100 : memref<1x128xi32, #tpu.memory_space<vmem>> -> memref<128xi32, #tpu.memory_space<vmem>>
    %dma_start3A_102 = arith.constant 0 : i32
    %dma_start3A_103 = arith.constant 0 : i32
    %dma_start3A_104 = tpu.memref_slice %arg4[%dma_start3A_102, %dma_start3A_103] : memref<2600000x16xf32, #tpu.memory_space<hbm>> -> memref<2600000x16xf32, #tpu.memory_space<hbm>>
    tpu.enqueue_indirect_dma source(%dma_start3A_104 : memref<2600000x16xf32, #tpu.memory_space<hbm>>) target(%dma_start3A_98 : memref<128x16xf32, #tpu.memory_space<vmem>>) offsets(%dma_start3A_101 : memref<128xi32, #tpu.memory_space<vmem>>) semaphore(%arg10 : memref<!tpu.dma_semaphore, #tpu.memory_space<semaphore_mem>>)
    %dma_start3A_105 = arith.constant 10 : i32
    %dma_start3A_106 = arith.constant 1280 : i32
    %dma_start3A_107 = arith.constant 0 : i32
    %dma_start3A_108 = tpu.memref_slice %arg8[%dma_start3A_106, %dma_start3A_107] : memref<3328x16xf32, #tpu.memory_space<vmem>> -> memref<128x16xf32, #tpu.memory_space<vmem>>
    %dma_start3A_109 = arith.constant 0 : i32
    %dma_start3A_110 = tpu.memref_slice %arg6[%dma_start3A_105, %dma_start3A_109] : memref<26x128xi32, #tpu.memory_space<vmem>> -> memref<1x128xi32, #tpu.memory_space<vmem>>
    %dma_start3A_111 = tpu.memref_squeeze %dma_start3A_110 : memref<1x128xi32, #tpu.memory_space<vmem>> -> memref<128xi32, #tpu.memory_space<vmem>>
    %dma_start3A_112 = arith.constant 0 : i32
    %dma_start3A_113 = arith.constant 0 : i32
    %dma_start3A_114 = tpu.memref_slice %arg4[%dma_start3A_112, %dma_start3A_113] : memref<2600000x16xf32, #tpu.memory_space<hbm>> -> memref<2600000x16xf32, #tpu.memory_space<hbm>>
    tpu.enqueue_indirect_dma source(%dma_start3A_114 : memref<2600000x16xf32, #tpu.memory_space<hbm>>) target(%dma_start3A_108 : memref<128x16xf32, #tpu.memory_space<vmem>>) offsets(%dma_start3A_111 : memref<128xi32, #tpu.memory_space<vmem>>) semaphore(%arg10 : memref<!tpu.dma_semaphore, #tpu.memory_space<semaphore_mem>>)
    %dma_start3A_115 = arith.constant 11 : i32
    %dma_start3A_116 = arith.constant 1408 : i32
    %dma_start3A_117 = arith.constant 0 : i32
    %dma_start3A_118 = tpu.memref_slice %arg8[%dma_start3A_116, %dma_start3A_117] : memref<3328x16xf32, #tpu.memory_space<vmem>> -> memref<128x16xf32, #tpu.memory_space<vmem>>
    %dma_start3A_119 = arith.constant 0 : i32
    %dma_start3A_120 = tpu.memref_slice %arg6[%dma_start3A_115, %dma_start3A_119] : memref<26x128xi32, #tpu.memory_space<vmem>> -> memref<1x128xi32, #tpu.memory_space<vmem>>
    %dma_start3A_121 = tpu.memref_squeeze %dma_start3A_120 : memref<1x128xi32, #tpu.memory_space<vmem>> -> memref<128xi32, #tpu.memory_space<vmem>>
    %dma_start3A_122 = arith.constant 0 : i32
    %dma_start3A_123 = arith.constant 0 : i32
    %dma_start3A_124 = tpu.memref_slice %arg4[%dma_start3A_122, %dma_start3A_123] : memref<2600000x16xf32, #tpu.memory_space<hbm>> -> memref<2600000x16xf32, #tpu.memory_space<hbm>>
    tpu.enqueue_indirect_dma source(%dma_start3A_124 : memref<2600000x16xf32, #tpu.memory_space<hbm>>) target(%dma_start3A_118 : memref<128x16xf32, #tpu.memory_space<vmem>>) offsets(%dma_start3A_121 : memref<128xi32, #tpu.memory_space<vmem>>) semaphore(%arg10 : memref<!tpu.dma_semaphore, #tpu.memory_space<semaphore_mem>>)
    %dma_start3A_125 = arith.constant 12 : i32
    %dma_start3A_126 = arith.constant 1536 : i32
    %dma_start3A_127 = arith.constant 0 : i32
    %dma_start3A_128 = tpu.memref_slice %arg8[%dma_start3A_126, %dma_start3A_127] : memref<3328x16xf32, #tpu.memory_space<vmem>> -> memref<128x16xf32, #tpu.memory_space<vmem>>
    %dma_start3A_129 = arith.constant 0 : i32
    %dma_start3A_130 = tpu.memref_slice %arg6[%dma_start3A_125, %dma_start3A_129] : memref<26x128xi32, #tpu.memory_space<vmem>> -> memref<1x128xi32, #tpu.memory_space<vmem>>
    %dma_start3A_131 = tpu.memref_squeeze %dma_start3A_130 : memref<1x128xi32, #tpu.memory_space<vmem>> -> memref<128xi32, #tpu.memory_space<vmem>>
    %dma_start3A_132 = arith.constant 0 : i32
    %dma_start3A_133 = arith.constant 0 : i32
    %dma_start3A_134 = tpu.memref_slice %arg4[%dma_start3A_132, %dma_start3A_133] : memref<2600000x16xf32, #tpu.memory_space<hbm>> -> memref<2600000x16xf32, #tpu.memory_space<hbm>>
    tpu.enqueue_indirect_dma source(%dma_start3A_134 : memref<2600000x16xf32, #tpu.memory_space<hbm>>) target(%dma_start3A_128 : memref<128x16xf32, #tpu.memory_space<vmem>>) offsets(%dma_start3A_131 : memref<128xi32, #tpu.memory_space<vmem>>) semaphore(%arg10 : memref<!tpu.dma_semaphore, #tpu.memory_space<semaphore_mem>>)
    %dma_start3A_135 = arith.constant 13 : i32
    %dma_start3A_136 = arith.constant 1664 : i32
    %dma_start3A_137 = arith.constant 0 : i32
    %dma_start3A_138 = tpu.memref_slice %arg8[%dma_start3A_136, %dma_start3A_137] : memref<3328x16xf32, #tpu.memory_space<vmem>> -> memref<128x16xf32, #tpu.memory_space<vmem>>
    %dma_start3A_139 = arith.constant 0 : i32
    %dma_start3A_140 = tpu.memref_slice %arg6[%dma_start3A_135, %dma_start3A_139] : memref<26x128xi32, #tpu.memory_space<vmem>> -> memref<1x128xi32, #tpu.memory_space<vmem>>
    %dma_start3A_141 = tpu.memref_squeeze %dma_start3A_140 : memref<1x128xi32, #tpu.memory_space<vmem>> -> memref<128xi32, #tpu.memory_space<vmem>>
    %dma_start3A_142 = arith.constant 0 : i32
    %dma_start3A_143 = arith.constant 0 : i32
    %dma_start3A_144 = tpu.memref_slice %arg4[%dma_start3A_142, %dma_start3A_143] : memref<2600000x16xf32, #tpu.memory_space<hbm>> -> memref<2600000x16xf32, #tpu.memory_space<hbm>>
    tpu.enqueue_indirect_dma source(%dma_start3A_144 : memref<2600000x16xf32, #tpu.memory_space<hbm>>) target(%dma_start3A_138 : memref<128x16xf32, #tpu.memory_space<vmem>>) offsets(%dma_start3A_141 : memref<128xi32, #tpu.memory_space<vmem>>) semaphore(%arg10 : memref<!tpu.dma_semaphore, #tpu.memory_space<semaphore_mem>>)
    %dma_start3A_145 = arith.constant 14 : i32
    %dma_start3A_146 = arith.constant 1792 : i32
    %dma_start3A_147 = arith.constant 0 : i32
    %dma_start3A_148 = tpu.memref_slice %arg8[%dma_start3A_146, %dma_start3A_147] : memref<3328x16xf32, #tpu.memory_space<vmem>> -> memref<128x16xf32, #tpu.memory_space<vmem>>
    %dma_start3A_149 = arith.constant 0 : i32
    %dma_start3A_150 = tpu.memref_slice %arg6[%dma_start3A_145, %dma_start3A_149] : memref<26x128xi32, #tpu.memory_space<vmem>> -> memref<1x128xi32, #tpu.memory_space<vmem>>
    %dma_start3A_151 = tpu.memref_squeeze %dma_start3A_150 : memref<1x128xi32, #tpu.memory_space<vmem>> -> memref<128xi32, #tpu.memory_space<vmem>>
    %dma_start3A_152 = arith.constant 0 : i32
    %dma_start3A_153 = arith.constant 0 : i32
    %dma_start3A_154 = tpu.memref_slice %arg4[%dma_start3A_152, %dma_start3A_153] : memref<2600000x16xf32, #tpu.memory_space<hbm>> -> memref<2600000x16xf32, #tpu.memory_space<hbm>>
    tpu.enqueue_indirect_dma source(%dma_start3A_154 : memref<2600000x16xf32, #tpu.memory_space<hbm>>) target(%dma_start3A_148 : memref<128x16xf32, #tpu.memory_space<vmem>>) offsets(%dma_start3A_151 : memref<128xi32, #tpu.memory_space<vmem>>) semaphore(%arg10 : memref<!tpu.dma_semaphore, #tpu.memory_space<semaphore_mem>>)
    %dma_start3A_155 = arith.constant 15 : i32
    %dma_start3A_156 = arith.constant 1920 : i32
    %dma_start3A_157 = arith.constant 0 : i32
    %dma_start3A_158 = tpu.memref_slice %arg8[%dma_start3A_156, %dma_start3A_157] : memref<3328x16xf32, #tpu.memory_space<vmem>> -> memref<128x16xf32, #tpu.memory_space<vmem>>
    %dma_start3A_159 = arith.constant 0 : i32
    %dma_start3A_160 = tpu.memref_slice %arg6[%dma_start3A_155, %dma_start3A_159] : memref<26x128xi32, #tpu.memory_space<vmem>> -> memref<1x128xi32, #tpu.memory_space<vmem>>
    %dma_start3A_161 = tpu.memref_squeeze %dma_start3A_160 : memref<1x128xi32, #tpu.memory_space<vmem>> -> memref<128xi32, #tpu.memory_space<vmem>>
    %dma_start3A_162 = arith.constant 0 : i32
    %dma_start3A_163 = arith.constant 0 : i32
    %dma_start3A_164 = tpu.memref_slice %arg4[%dma_start3A_162, %dma_start3A_163] : memref<2600000x16xf32, #tpu.memory_space<hbm>> -> memref<2600000x16xf32, #tpu.memory_space<hbm>>
    tpu.enqueue_indirect_dma source(%dma_start3A_164 : memref<2600000x16xf32, #tpu.memory_space<hbm>>) target(%dma_start3A_158 : memref<128x16xf32, #tpu.memory_space<vmem>>) offsets(%dma_start3A_161 : memref<128xi32, #tpu.memory_space<vmem>>) semaphore(%arg10 : memref<!tpu.dma_semaphore, #tpu.memory_space<semaphore_mem>>)
    %dma_start3A_165 = arith.constant 16 : i32
    %dma_start3A_166 = arith.constant 2048 : i32
    %dma_start3A_167 = arith.constant 0 : i32
    %dma_start3A_168 = tpu.memref_slice %arg8[%dma_start3A_166, %dma_start3A_167] : memref<3328x16xf32, #tpu.memory_space<vmem>> -> memref<128x16xf32, #tpu.memory_space<vmem>>
    %dma_start3A_169 = arith.constant 0 : i32
    %dma_start3A_170 = tpu.memref_slice %arg6[%dma_start3A_165, %dma_start3A_169] : memref<26x128xi32, #tpu.memory_space<vmem>> -> memref<1x128xi32, #tpu.memory_space<vmem>>
    %dma_start3A_171 = tpu.memref_squeeze %dma_start3A_170 : memref<1x128xi32, #tpu.memory_space<vmem>> -> memref<128xi32, #tpu.memory_space<vmem>>
    %dma_start3A_172 = arith.constant 0 : i32
    %dma_start3A_173 = arith.constant 0 : i32
    %dma_start3A_174 = tpu.memref_slice %arg4[%dma_start3A_172, %dma_start3A_173] : memref<2600000x16xf32, #tpu.memory_space<hbm>> -> memref<2600000x16xf32, #tpu.memory_space<hbm>>
    tpu.enqueue_indirect_dma source(%dma_start3A_174 : memref<2600000x16xf32, #tpu.memory_space<hbm>>) target(%dma_start3A_168 : memref<128x16xf32, #tpu.memory_space<vmem>>) offsets(%dma_start3A_171 : memref<128xi32, #tpu.memory_space<vmem>>) semaphore(%arg10 : memref<!tpu.dma_semaphore, #tpu.memory_space<semaphore_mem>>)
    %dma_start3A_175 = arith.constant 17 : i32
    %dma_start3A_176 = arith.constant 2176 : i32
    %dma_start3A_177 = arith.constant 0 : i32
    %dma_start3A_178 = tpu.memref_slice %arg8[%dma_start3A_176, %dma_start3A_177] : memref<3328x16xf32, #tpu.memory_space<vmem>> -> memref<128x16xf32, #tpu.memory_space<vmem>>
    %dma_start3A_179 = arith.constant 0 : i32
    %dma_start3A_180 = tpu.memref_slice %arg6[%dma_start3A_175, %dma_start3A_179] : memref<26x128xi32, #tpu.memory_space<vmem>> -> memref<1x128xi32, #tpu.memory_space<vmem>>
    %dma_start3A_181 = tpu.memref_squeeze %dma_start3A_180 : memref<1x128xi32, #tpu.memory_space<vmem>> -> memref<128xi32, #tpu.memory_space<vmem>>
    %dma_start3A_182 = arith.constant 0 : i32
    %dma_start3A_183 = arith.constant 0 : i32
    %dma_start3A_184 = tpu.memref_slice %arg4[%dma_start3A_182, %dma_start3A_183] : memref<2600000x16xf32, #tpu.memory_space<hbm>> -> memref<2600000x16xf32, #tpu.memory_space<hbm>>
    tpu.enqueue_indirect_dma source(%dma_start3A_184 : memref<2600000x16xf32, #tpu.memory_space<hbm>>) target(%dma_start3A_178 : memref<128x16xf32, #tpu.memory_space<vmem>>) offsets(%dma_start3A_181 : memref<128xi32, #tpu.memory_space<vmem>>) semaphore(%arg10 : memref<!tpu.dma_semaphore, #tpu.memory_space<semaphore_mem>>)
    %dma_start3A_185 = arith.constant 18 : i32
    %dma_start3A_186 = arith.constant 2304 : i32
    %dma_start3A_187 = arith.constant 0 : i32
    %dma_start3A_188 = tpu.memref_slice %arg8[%dma_start3A_186, %dma_start3A_187] : memref<3328x16xf32, #tpu.memory_space<vmem>> -> memref<128x16xf32, #tpu.memory_space<vmem>>
    %dma_start3A_189 = arith.constant 0 : i32
    %dma_start3A_190 = tpu.memref_slice %arg6[%dma_start3A_185, %dma_start3A_189] : memref<26x128xi32, #tpu.memory_space<vmem>> -> memref<1x128xi32, #tpu.memory_space<vmem>>
    %dma_start3A_191 = tpu.memref_squeeze %dma_start3A_190 : memref<1x128xi32, #tpu.memory_space<vmem>> -> memref<128xi32, #tpu.memory_space<vmem>>
    %dma_start3A_192 = arith.constant 0 : i32
    %dma_start3A_193 = arith.constant 0 : i32
    %dma_start3A_194 = tpu.memref_slice %arg4[%dma_start3A_192, %dma_start3A_193] : memref<2600000x16xf32, #tpu.memory_space<hbm>> -> memref<2600000x16xf32, #tpu.memory_space<hbm>>
    tpu.enqueue_indirect_dma source(%dma_start3A_194 : memref<2600000x16xf32, #tpu.memory_space<hbm>>) target(%dma_start3A_188 : memref<128x16xf32, #tpu.memory_space<vmem>>) offsets(%dma_start3A_191 : memref<128xi32, #tpu.memory_space<vmem>>) semaphore(%arg10 : memref<!tpu.dma_semaphore, #tpu.memory_space<semaphore_mem>>)
    %dma_start3A_195 = arith.constant 19 : i32
    %dma_start3A_196 = arith.constant 2432 : i32
    %dma_start3A_197 = arith.constant 0 : i32
    %dma_start3A_198 = tpu.memref_slice %arg8[%dma_start3A_196, %dma_start3A_197] : memref<3328x16xf32, #tpu.memory_space<vmem>> -> memref<128x16xf32, #tpu.memory_space<vmem>>
    %dma_start3A_199 = arith.constant 0 : i32
    %dma_start3A_200 = tpu.memref_slice %arg6[%dma_start3A_195, %dma_start3A_199] : memref<26x128xi32, #tpu.memory_space<vmem>> -> memref<1x128xi32, #tpu.memory_space<vmem>>
    %dma_start3A_201 = tpu.memref_squeeze %dma_start3A_200 : memref<1x128xi32, #tpu.memory_space<vmem>> -> memref<128xi32, #tpu.memory_space<vmem>>
    %dma_start3A_202 = arith.constant 0 : i32
    %dma_start3A_203 = arith.constant 0 : i32
    %dma_start3A_204 = tpu.memref_slice %arg4[%dma_start3A_202, %dma_start3A_203] : memref<2600000x16xf32, #tpu.memory_space<hbm>> -> memref<2600000x16xf32, #tpu.memory_space<hbm>>
    tpu.enqueue_indirect_dma source(%dma_start3A_204 : memref<2600000x16xf32, #tpu.memory_space<hbm>>) target(%dma_start3A_198 : memref<128x16xf32, #tpu.memory_space<vmem>>) offsets(%dma_start3A_201 : memref<128xi32, #tpu.memory_space<vmem>>) semaphore(%arg10 : memref<!tpu.dma_semaphore, #tpu.memory_space<semaphore_mem>>)
    %dma_start3A_205 = arith.constant 20 : i32
    %dma_start3A_206 = arith.constant 2560 : i32
    %dma_start3A_207 = arith.constant 0 : i32
    %dma_start3A_208 = tpu.memref_slice %arg8[%dma_start3A_206, %dma_start3A_207] : memref<3328x16xf32, #tpu.memory_space<vmem>> -> memref<128x16xf32, #tpu.memory_space<vmem>>
    %dma_start3A_209 = arith.constant 0 : i32
    %dma_start3A_210 = tpu.memref_slice %arg6[%dma_start3A_205, %dma_start3A_209] : memref<26x128xi32, #tpu.memory_space<vmem>> -> memref<1x128xi32, #tpu.memory_space<vmem>>
    %dma_start3A_211 = tpu.memref_squeeze %dma_start3A_210 : memref<1x128xi32, #tpu.memory_space<vmem>> -> memref<128xi32, #tpu.memory_space<vmem>>
    %dma_start3A_212 = arith.constant 0 : i32
    %dma_start3A_213 = arith.constant 0 : i32
    %dma_start3A_214 = tpu.memref_slice %arg4[%dma_start3A_212, %dma_start3A_213] : memref<2600000x16xf32, #tpu.memory_space<hbm>> -> memref<2600000x16xf32, #tpu.memory_space<hbm>>
    tpu.enqueue_indirect_dma source(%dma_start3A_214 : memref<2600000x16xf32, #tpu.memory_space<hbm>>) target(%dma_start3A_208 : memref<128x16xf32, #tpu.memory_space<vmem>>) offsets(%dma_start3A_211 : memref<128xi32, #tpu.memory_space<vmem>>) semaphore(%arg10 : memref<!tpu.dma_semaphore, #tpu.memory_space<semaphore_mem>>)
    %dma_start3A_215 = arith.constant 21 : i32
    %dma_start3A_216 = arith.constant 2688 : i32
    %dma_start3A_217 = arith.constant 0 : i32
    %dma_start3A_218 = tpu.memref_slice %arg8[%dma_start3A_216, %dma_start3A_217] : memref<3328x16xf32, #tpu.memory_space<vmem>> -> memref<128x16xf32, #tpu.memory_space<vmem>>
    %dma_start3A_219 = arith.constant 0 : i32
    %dma_start3A_220 = tpu.memref_slice %arg6[%dma_start3A_215, %dma_start3A_219] : memref<26x128xi32, #tpu.memory_space<vmem>> -> memref<1x128xi32, #tpu.memory_space<vmem>>
    %dma_start3A_221 = tpu.memref_squeeze %dma_start3A_220 : memref<1x128xi32, #tpu.memory_space<vmem>> -> memref<128xi32, #tpu.memory_space<vmem>>
    %dma_start3A_222 = arith.constant 0 : i32
    %dma_start3A_223 = arith.constant 0 : i32
    %dma_start3A_224 = tpu.memref_slice %arg4[%dma_start3A_222, %dma_start3A_223] : memref<2600000x16xf32, #tpu.memory_space<hbm>> -> memref<2600000x16xf32, #tpu.memory_space<hbm>>
    tpu.enqueue_indirect_dma source(%dma_start3A_224 : memref<2600000x16xf32, #tpu.memory_space<hbm>>) target(%dma_start3A_218 : memref<128x16xf32, #tpu.memory_space<vmem>>) offsets(%dma_start3A_221 : memref<128xi32, #tpu.memory_space<vmem>>) semaphore(%arg10 : memref<!tpu.dma_semaphore, #tpu.memory_space<semaphore_mem>>)
    %dma_start3A_225 = arith.constant 22 : i32
    %dma_start3A_226 = arith.constant 2816 : i32
    %dma_start3A_227 = arith.constant 0 : i32
    %dma_start3A_228 = tpu.memref_slice %arg8[%dma_start3A_226, %dma_start3A_227] : memref<3328x16xf32, #tpu.memory_space<vmem>> -> memref<128x16xf32, #tpu.memory_space<vmem>>
    %dma_start3A_229 = arith.constant 0 : i32
    %dma_start3A_230 = tpu.memref_slice %arg6[%dma_start3A_225, %dma_start3A_229] : memref<26x128xi32, #tpu.memory_space<vmem>> -> memref<1x128xi32, #tpu.memory_space<vmem>>
    %dma_start3A_231 = tpu.memref_squeeze %dma_start3A_230 : memref<1x128xi32, #tpu.memory_space<vmem>> -> memref<128xi32, #tpu.memory_space<vmem>>
    %dma_start3A_232 = arith.constant 0 : i32
    %dma_start3A_233 = arith.constant 0 : i32
    %dma_start3A_234 = tpu.memref_slice %arg4[%dma_start3A_232, %dma_start3A_233] : memref<2600000x16xf32, #tpu.memory_space<hbm>> -> memref<2600000x16xf32, #tpu.memory_space<hbm>>
    tpu.enqueue_indirect_dma source(%dma_start3A_234 : memref<2600000x16xf32, #tpu.memory_space<hbm>>) target(%dma_start3A_228 : memref<128x16xf32, #tpu.memory_space<vmem>>) offsets(%dma_start3A_231 : memref<128xi32, #tpu.memory_space<vmem>>) semaphore(%arg10 : memref<!tpu.dma_semaphore, #tpu.memory_space<semaphore_mem>>)
    %dma_start3A_235 = arith.constant 23 : i32
    %dma_start3A_236 = arith.constant 2944 : i32
    %dma_start3A_237 = arith.constant 0 : i32
    %dma_start3A_238 = tpu.memref_slice %arg8[%dma_start3A_236, %dma_start3A_237] : memref<3328x16xf32, #tpu.memory_space<vmem>> -> memref<128x16xf32, #tpu.memory_space<vmem>>
    %dma_start3A_239 = arith.constant 0 : i32
    %dma_start3A_240 = tpu.memref_slice %arg6[%dma_start3A_235, %dma_start3A_239] : memref<26x128xi32, #tpu.memory_space<vmem>> -> memref<1x128xi32, #tpu.memory_space<vmem>>
    %dma_start3A_241 = tpu.memref_squeeze %dma_start3A_240 : memref<1x128xi32, #tpu.memory_space<vmem>> -> memref<128xi32, #tpu.memory_space<vmem>>
    %dma_start3A_242 = arith.constant 0 : i32
    %dma_start3A_243 = arith.constant 0 : i32
    %dma_start3A_244 = tpu.memref_slice %arg4[%dma_start3A_242, %dma_start3A_243] : memref<2600000x16xf32, #tpu.memory_space<hbm>> -> memref<2600000x16xf32, #tpu.memory_space<hbm>>
    tpu.enqueue_indirect_dma source(%dma_start3A_244 : memref<2600000x16xf32, #tpu.memory_space<hbm>>) target(%dma_start3A_238 : memref<128x16xf32, #tpu.memory_space<vmem>>) offsets(%dma_start3A_241 : memref<128xi32, #tpu.memory_space<vmem>>) semaphore(%arg10 : memref<!tpu.dma_semaphore, #tpu.memory_space<semaphore_mem>>)
    %dma_start3A_245 = arith.constant 24 : i32
    %dma_start3A_246 = arith.constant 3072 : i32
    %dma_start3A_247 = arith.constant 0 : i32
    %dma_start3A_248 = tpu.memref_slice %arg8[%dma_start3A_246, %dma_start3A_247] : memref<3328x16xf32, #tpu.memory_space<vmem>> -> memref<128x16xf32, #tpu.memory_space<vmem>>
    %dma_start3A_249 = arith.constant 0 : i32
    %dma_start3A_250 = tpu.memref_slice %arg6[%dma_start3A_245, %dma_start3A_249] : memref<26x128xi32, #tpu.memory_space<vmem>> -> memref<1x128xi32, #tpu.memory_space<vmem>>
    %dma_start3A_251 = tpu.memref_squeeze %dma_start3A_250 : memref<1x128xi32, #tpu.memory_space<vmem>> -> memref<128xi32, #tpu.memory_space<vmem>>
    %dma_start3A_252 = arith.constant 0 : i32
    %dma_start3A_253 = arith.constant 0 : i32
    %dma_start3A_254 = tpu.memref_slice %arg4[%dma_start3A_252, %dma_start3A_253] : memref<2600000x16xf32, #tpu.memory_space<hbm>> -> memref<2600000x16xf32, #tpu.memory_space<hbm>>
    tpu.enqueue_indirect_dma source(%dma_start3A_254 : memref<2600000x16xf32, #tpu.memory_space<hbm>>) target(%dma_start3A_248 : memref<128x16xf32, #tpu.memory_space<vmem>>) offsets(%dma_start3A_251 : memref<128xi32, #tpu.memory_space<vmem>>) semaphore(%arg10 : memref<!tpu.dma_semaphore, #tpu.memory_space<semaphore_mem>>)
    %dma_start3A_255 = arith.constant 25 : i32
    %dma_start3A_256 = arith.constant 3200 : i32
    %dma_start3A_257 = arith.constant 0 : i32
    %dma_start3A_258 = tpu.memref_slice %arg8[%dma_start3A_256, %dma_start3A_257] : memref<3328x16xf32, #tpu.memory_space<vmem>> -> memref<128x16xf32, #tpu.memory_space<vmem>>
    %dma_start3A_259 = arith.constant 0 : i32
    %dma_start3A_260 = tpu.memref_slice %arg6[%dma_start3A_255, %dma_start3A_259] : memref<26x128xi32, #tpu.memory_space<vmem>> -> memref<1x128xi32, #tpu.memory_space<vmem>>
    %dma_start3A_261 = tpu.memref_squeeze %dma_start3A_260 : memref<1x128xi32, #tpu.memory_space<vmem>> -> memref<128xi32, #tpu.memory_space<vmem>>
    %dma_start3A_262 = arith.constant 0 : i32
    %dma_start3A_263 = arith.constant 0 : i32
    %dma_start3A_264 = tpu.memref_slice %arg4[%dma_start3A_262, %dma_start3A_263] : memref<2600000x16xf32, #tpu.memory_space<hbm>> -> memref<2600000x16xf32, #tpu.memory_space<hbm>>
    tpu.enqueue_indirect_dma source(%dma_start3A_264 : memref<2600000x16xf32, #tpu.memory_space<hbm>>) target(%dma_start3A_258 : memref<128x16xf32, #tpu.memory_space<vmem>>) offsets(%dma_start3A_261 : memref<128xi32, #tpu.memory_space<vmem>>) semaphore(%arg10 : memref<!tpu.dma_semaphore, #tpu.memory_space<semaphore_mem>>)
    %dma_wait3A = arith.constant 0 : i32
    %dma_wait3A_265 = arith.constant 0 : i32
    %dma_wait3A_266 = arith.constant 0 : i32
    %dma_wait3A_267 = tpu.memref_slice %arg8[%dma_wait3A_265, %dma_wait3A_266] : memref<3328x16xf32, #tpu.memory_space<vmem>> -> memref<128x16xf32, #tpu.memory_space<vmem>>
    %dma_wait3A_268 = arith.constant 0 : i32
    %dma_wait3A_269 = tpu.memref_slice %arg6[%dma_wait3A, %dma_wait3A_268] : memref<26x128xi32, #tpu.memory_space<vmem>> -> memref<1x128xi32, #tpu.memory_space<vmem>>
    %dma_wait3A_270 = tpu.memref_squeeze %dma_wait3A_269 : memref<1x128xi32, #tpu.memory_space<vmem>> -> memref<128xi32, #tpu.memory_space<vmem>>
    %dma_wait3A_271 = arith.constant 0 : i32
    %dma_wait3A_272 = arith.constant 0 : i32
    %dma_wait3A_273 = tpu.memref_slice %arg4[%dma_wait3A_271, %dma_wait3A_272] : memref<2600000x16xf32, #tpu.memory_space<hbm>> -> memref<2600000x16xf32, #tpu.memory_space<hbm>>
    tpu.wait_indirect_dma semaphore(%arg10 : memref<!tpu.dma_semaphore, #tpu.memory_space<semaphore_mem>>) src(%dma_wait3A_273 : memref<2600000x16xf32, #tpu.memory_space<hbm>>) dst(%dma_wait3A_267 : memref<128x16xf32, #tpu.memory_space<vmem>>)
    %dma_wait3A_274 = arith.constant 1 : i32
    %dma_wait3A_275 = arith.constant 128 : i32
    %dma_wait3A_276 = arith.constant 0 : i32
    %dma_wait3A_277 = tpu.memref_slice %arg8[%dma_wait3A_275, %dma_wait3A_276] : memref<3328x16xf32, #tpu.memory_space<vmem>> -> memref<128x16xf32, #tpu.memory_space<vmem>>
    %dma_wait3A_278 = arith.constant 0 : i32
    %dma_wait3A_279 = tpu.memref_slice %arg6[%dma_wait3A_274, %dma_wait3A_278] : memref<26x128xi32, #tpu.memory_space<vmem>> -> memref<1x128xi32, #tpu.memory_space<vmem>>
    %dma_wait3A_280 = tpu.memref_squeeze %dma_wait3A_279 : memref<1x128xi32, #tpu.memory_space<vmem>> -> memref<128xi32, #tpu.memory_space<vmem>>
    %dma_wait3A_281 = arith.constant 0 : i32
    %dma_wait3A_282 = arith.constant 0 : i32
    %dma_wait3A_283 = tpu.memref_slice %arg4[%dma_wait3A_281, %dma_wait3A_282] : memref<2600000x16xf32, #tpu.memory_space<hbm>> -> memref<2600000x16xf32, #tpu.memory_space<hbm>>
    tpu.wait_indirect_dma semaphore(%arg10 : memref<!tpu.dma_semaphore, #tpu.memory_space<semaphore_mem>>) src(%dma_wait3A_283 : memref<2600000x16xf32, #tpu.memory_space<hbm>>) dst(%dma_wait3A_277 : memref<128x16xf32, #tpu.memory_space<vmem>>)
    %dma_wait3A_284 = arith.constant 2 : i32
    %dma_wait3A_285 = arith.constant 256 : i32
    %dma_wait3A_286 = arith.constant 0 : i32
    %dma_wait3A_287 = tpu.memref_slice %arg8[%dma_wait3A_285, %dma_wait3A_286] : memref<3328x16xf32, #tpu.memory_space<vmem>> -> memref<128x16xf32, #tpu.memory_space<vmem>>
    %dma_wait3A_288 = arith.constant 0 : i32
    %dma_wait3A_289 = tpu.memref_slice %arg6[%dma_wait3A_284, %dma_wait3A_288] : memref<26x128xi32, #tpu.memory_space<vmem>> -> memref<1x128xi32, #tpu.memory_space<vmem>>
    %dma_wait3A_290 = tpu.memref_squeeze %dma_wait3A_289 : memref<1x128xi32, #tpu.memory_space<vmem>> -> memref<128xi32, #tpu.memory_space<vmem>>
    %dma_wait3A_291 = arith.constant 0 : i32
    %dma_wait3A_292 = arith.constant 0 : i32
    %dma_wait3A_293 = tpu.memref_slice %arg4[%dma_wait3A_291, %dma_wait3A_292] : memref<2600000x16xf32, #tpu.memory_space<hbm>> -> memref<2600000x16xf32, #tpu.memory_space<hbm>>
    tpu.wait_indirect_dma semaphore(%arg10 : memref<!tpu.dma_semaphore, #tpu.memory_space<semaphore_mem>>) src(%dma_wait3A_293 : memref<2600000x16xf32, #tpu.memory_space<hbm>>) dst(%dma_wait3A_287 : memref<128x16xf32, #tpu.memory_space<vmem>>)
    %dma_wait3A_294 = arith.constant 3 : i32
    %dma_wait3A_295 = arith.constant 384 : i32
    %dma_wait3A_296 = arith.constant 0 : i32
    %dma_wait3A_297 = tpu.memref_slice %arg8[%dma_wait3A_295, %dma_wait3A_296] : memref<3328x16xf32, #tpu.memory_space<vmem>> -> memref<128x16xf32, #tpu.memory_space<vmem>>
    %dma_wait3A_298 = arith.constant 0 : i32
    %dma_wait3A_299 = tpu.memref_slice %arg6[%dma_wait3A_294, %dma_wait3A_298] : memref<26x128xi32, #tpu.memory_space<vmem>> -> memref<1x128xi32, #tpu.memory_space<vmem>>
    %dma_wait3A_300 = tpu.memref_squeeze %dma_wait3A_299 : memref<1x128xi32, #tpu.memory_space<vmem>> -> memref<128xi32, #tpu.memory_space<vmem>>
    %dma_wait3A_301 = arith.constant 0 : i32
    %dma_wait3A_302 = arith.constant 0 : i32
    %dma_wait3A_303 = tpu.memref_slice %arg4[%dma_wait3A_301, %dma_wait3A_302] : memref<2600000x16xf32, #tpu.memory_space<hbm>> -> memref<2600000x16xf32, #tpu.memory_space<hbm>>
    tpu.wait_indirect_dma semaphore(%arg10 : memref<!tpu.dma_semaphore, #tpu.memory_space<semaphore_mem>>) src(%dma_wait3A_303 : memref<2600000x16xf32, #tpu.memory_space<hbm>>) dst(%dma_wait3A_297 : memref<128x16xf32, #tpu.memory_space<vmem>>)
    %dma_wait3A_304 = arith.constant 4 : i32
    %dma_wait3A_305 = arith.constant 512 : i32
    %dma_wait3A_306 = arith.constant 0 : i32
    %dma_wait3A_307 = tpu.memref_slice %arg8[%dma_wait3A_305, %dma_wait3A_306] : memref<3328x16xf32, #tpu.memory_space<vmem>> -> memref<128x16xf32, #tpu.memory_space<vmem>>
    %dma_wait3A_308 = arith.constant 0 : i32
    %dma_wait3A_309 = tpu.memref_slice %arg6[%dma_wait3A_304, %dma_wait3A_308] : memref<26x128xi32, #tpu.memory_space<vmem>> -> memref<1x128xi32, #tpu.memory_space<vmem>>
    %dma_wait3A_310 = tpu.memref_squeeze %dma_wait3A_309 : memref<1x128xi32, #tpu.memory_space<vmem>> -> memref<128xi32, #tpu.memory_space<vmem>>
    %dma_wait3A_311 = arith.constant 0 : i32
    %dma_wait3A_312 = arith.constant 0 : i32
    %dma_wait3A_313 = tpu.memref_slice %arg4[%dma_wait3A_311, %dma_wait3A_312] : memref<2600000x16xf32, #tpu.memory_space<hbm>> -> memref<2600000x16xf32, #tpu.memory_space<hbm>>
    tpu.wait_indirect_dma semaphore(%arg10 : memref<!tpu.dma_semaphore, #tpu.memory_space<semaphore_mem>>) src(%dma_wait3A_313 : memref<2600000x16xf32, #tpu.memory_space<hbm>>) dst(%dma_wait3A_307 : memref<128x16xf32, #tpu.memory_space<vmem>>)
    %dma_wait3A_314 = arith.constant 5 : i32
    %dma_wait3A_315 = arith.constant 640 : i32
    %dma_wait3A_316 = arith.constant 0 : i32
    %dma_wait3A_317 = tpu.memref_slice %arg8[%dma_wait3A_315, %dma_wait3A_316] : memref<3328x16xf32, #tpu.memory_space<vmem>> -> memref<128x16xf32, #tpu.memory_space<vmem>>
    %dma_wait3A_318 = arith.constant 0 : i32
    %dma_wait3A_319 = tpu.memref_slice %arg6[%dma_wait3A_314, %dma_wait3A_318] : memref<26x128xi32, #tpu.memory_space<vmem>> -> memref<1x128xi32, #tpu.memory_space<vmem>>
    %dma_wait3A_320 = tpu.memref_squeeze %dma_wait3A_319 : memref<1x128xi32, #tpu.memory_space<vmem>> -> memref<128xi32, #tpu.memory_space<vmem>>
    %dma_wait3A_321 = arith.constant 0 : i32
    %dma_wait3A_322 = arith.constant 0 : i32
    %dma_wait3A_323 = tpu.memref_slice %arg4[%dma_wait3A_321, %dma_wait3A_322] : memref<2600000x16xf32, #tpu.memory_space<hbm>> -> memref<2600000x16xf32, #tpu.memory_space<hbm>>
    tpu.wait_indirect_dma semaphore(%arg10 : memref<!tpu.dma_semaphore, #tpu.memory_space<semaphore_mem>>) src(%dma_wait3A_323 : memref<2600000x16xf32, #tpu.memory_space<hbm>>) dst(%dma_wait3A_317 : memref<128x16xf32, #tpu.memory_space<vmem>>)
    %dma_wait3A_324 = arith.constant 6 : i32
    %dma_wait3A_325 = arith.constant 768 : i32
    %dma_wait3A_326 = arith.constant 0 : i32
    %dma_wait3A_327 = tpu.memref_slice %arg8[%dma_wait3A_325, %dma_wait3A_326] : memref<3328x16xf32, #tpu.memory_space<vmem>> -> memref<128x16xf32, #tpu.memory_space<vmem>>
    %dma_wait3A_328 = arith.constant 0 : i32
    %dma_wait3A_329 = tpu.memref_slice %arg6[%dma_wait3A_324, %dma_wait3A_328] : memref<26x128xi32, #tpu.memory_space<vmem>> -> memref<1x128xi32, #tpu.memory_space<vmem>>
    %dma_wait3A_330 = tpu.memref_squeeze %dma_wait3A_329 : memref<1x128xi32, #tpu.memory_space<vmem>> -> memref<128xi32, #tpu.memory_space<vmem>>
    %dma_wait3A_331 = arith.constant 0 : i32
    %dma_wait3A_332 = arith.constant 0 : i32
    %dma_wait3A_333 = tpu.memref_slice %arg4[%dma_wait3A_331, %dma_wait3A_332] : memref<2600000x16xf32, #tpu.memory_space<hbm>> -> memref<2600000x16xf32, #tpu.memory_space<hbm>>
    tpu.wait_indirect_dma semaphore(%arg10 : memref<!tpu.dma_semaphore, #tpu.memory_space<semaphore_mem>>) src(%dma_wait3A_333 : memref<2600000x16xf32, #tpu.memory_space<hbm>>) dst(%dma_wait3A_327 : memref<128x16xf32, #tpu.memory_space<vmem>>)
    %dma_wait3A_334 = arith.constant 7 : i32
    %dma_wait3A_335 = arith.constant 896 : i32
    %dma_wait3A_336 = arith.constant 0 : i32
    %dma_wait3A_337 = tpu.memref_slice %arg8[%dma_wait3A_335, %dma_wait3A_336] : memref<3328x16xf32, #tpu.memory_space<vmem>> -> memref<128x16xf32, #tpu.memory_space<vmem>>
    %dma_wait3A_338 = arith.constant 0 : i32
    %dma_wait3A_339 = tpu.memref_slice %arg6[%dma_wait3A_334, %dma_wait3A_338] : memref<26x128xi32, #tpu.memory_space<vmem>> -> memref<1x128xi32, #tpu.memory_space<vmem>>
    %dma_wait3A_340 = tpu.memref_squeeze %dma_wait3A_339 : memref<1x128xi32, #tpu.memory_space<vmem>> -> memref<128xi32, #tpu.memory_space<vmem>>
    %dma_wait3A_341 = arith.constant 0 : i32
    %dma_wait3A_342 = arith.constant 0 : i32
    %dma_wait3A_343 = tpu.memref_slice %arg4[%dma_wait3A_341, %dma_wait3A_342] : memref<2600000x16xf32, #tpu.memory_space<hbm>> -> memref<2600000x16xf32, #tpu.memory_space<hbm>>
    tpu.wait_indirect_dma semaphore(%arg10 : memref<!tpu.dma_semaphore, #tpu.memory_space<semaphore_mem>>) src(%dma_wait3A_343 : memref<2600000x16xf32, #tpu.memory_space<hbm>>) dst(%dma_wait3A_337 : memref<128x16xf32, #tpu.memory_space<vmem>>)
    %dma_wait3A_344 = arith.constant 8 : i32
    %dma_wait3A_345 = arith.constant 1024 : i32
    %dma_wait3A_346 = arith.constant 0 : i32
    %dma_wait3A_347 = tpu.memref_slice %arg8[%dma_wait3A_345, %dma_wait3A_346] : memref<3328x16xf32, #tpu.memory_space<vmem>> -> memref<128x16xf32, #tpu.memory_space<vmem>>
    %dma_wait3A_348 = arith.constant 0 : i32
    %dma_wait3A_349 = tpu.memref_slice %arg6[%dma_wait3A_344, %dma_wait3A_348] : memref<26x128xi32, #tpu.memory_space<vmem>> -> memref<1x128xi32, #tpu.memory_space<vmem>>
    %dma_wait3A_350 = tpu.memref_squeeze %dma_wait3A_349 : memref<1x128xi32, #tpu.memory_space<vmem>> -> memref<128xi32, #tpu.memory_space<vmem>>
    %dma_wait3A_351 = arith.constant 0 : i32
    %dma_wait3A_352 = arith.constant 0 : i32
    %dma_wait3A_353 = tpu.memref_slice %arg4[%dma_wait3A_351, %dma_wait3A_352] : memref<2600000x16xf32, #tpu.memory_space<hbm>> -> memref<2600000x16xf32, #tpu.memory_space<hbm>>
    tpu.wait_indirect_dma semaphore(%arg10 : memref<!tpu.dma_semaphore, #tpu.memory_space<semaphore_mem>>) src(%dma_wait3A_353 : memref<2600000x16xf32, #tpu.memory_space<hbm>>) dst(%dma_wait3A_347 : memref<128x16xf32, #tpu.memory_space<vmem>>)
    %dma_wait3A_354 = arith.constant 9 : i32
    %dma_wait3A_355 = arith.constant 1152 : i32
    %dma_wait3A_356 = arith.constant 0 : i32
    %dma_wait3A_357 = tpu.memref_slice %arg8[%dma_wait3A_355, %dma_wait3A_356] : memref<3328x16xf32, #tpu.memory_space<vmem>> -> memref<128x16xf32, #tpu.memory_space<vmem>>
    %dma_wait3A_358 = arith.constant 0 : i32
    %dma_wait3A_359 = tpu.memref_slice %arg6[%dma_wait3A_354, %dma_wait3A_358] : memref<26x128xi32, #tpu.memory_space<vmem>> -> memref<1x128xi32, #tpu.memory_space<vmem>>
    %dma_wait3A_360 = tpu.memref_squeeze %dma_wait3A_359 : memref<1x128xi32, #tpu.memory_space<vmem>> -> memref<128xi32, #tpu.memory_space<vmem>>
    %dma_wait3A_361 = arith.constant 0 : i32
    %dma_wait3A_362 = arith.constant 0 : i32
    %dma_wait3A_363 = tpu.memref_slice %arg4[%dma_wait3A_361, %dma_wait3A_362] : memref<2600000x16xf32, #tpu.memory_space<hbm>> -> memref<2600000x16xf32, #tpu.memory_space<hbm>>
    tpu.wait_indirect_dma semaphore(%arg10 : memref<!tpu.dma_semaphore, #tpu.memory_space<semaphore_mem>>) src(%dma_wait3A_363 : memref<2600000x16xf32, #tpu.memory_space<hbm>>) dst(%dma_wait3A_357 : memref<128x16xf32, #tpu.memory_space<vmem>>)
    %dma_wait3A_364 = arith.constant 10 : i32
    %dma_wait3A_365 = arith.constant 1280 : i32
    %dma_wait3A_366 = arith.constant 0 : i32
    %dma_wait3A_367 = tpu.memref_slice %arg8[%dma_wait3A_365, %dma_wait3A_366] : memref<3328x16xf32, #tpu.memory_space<vmem>> -> memref<128x16xf32, #tpu.memory_space<vmem>>
    %dma_wait3A_368 = arith.constant 0 : i32
    %dma_wait3A_369 = tpu.memref_slice %arg6[%dma_wait3A_364, %dma_wait3A_368] : memref<26x128xi32, #tpu.memory_space<vmem>> -> memref<1x128xi32, #tpu.memory_space<vmem>>
    %dma_wait3A_370 = tpu.memref_squeeze %dma_wait3A_369 : memref<1x128xi32, #tpu.memory_space<vmem>> -> memref<128xi32, #tpu.memory_space<vmem>>
    %dma_wait3A_371 = arith.constant 0 : i32
    %dma_wait3A_372 = arith.constant 0 : i32
    %dma_wait3A_373 = tpu.memref_slice %arg4[%dma_wait3A_371, %dma_wait3A_372] : memref<2600000x16xf32, #tpu.memory_space<hbm>> -> memref<2600000x16xf32, #tpu.memory_space<hbm>>
    tpu.wait_indirect_dma semaphore(%arg10 : memref<!tpu.dma_semaphore, #tpu.memory_space<semaphore_mem>>) src(%dma_wait3A_373 : memref<2600000x16xf32, #tpu.memory_space<hbm>>) dst(%dma_wait3A_367 : memref<128x16xf32, #tpu.memory_space<vmem>>)
    %dma_wait3A_374 = arith.constant 11 : i32
    %dma_wait3A_375 = arith.constant 1408 : i32
    %dma_wait3A_376 = arith.constant 0 : i32
    %dma_wait3A_377 = tpu.memref_slice %arg8[%dma_wait3A_375, %dma_wait3A_376] : memref<3328x16xf32, #tpu.memory_space<vmem>> -> memref<128x16xf32, #tpu.memory_space<vmem>>
    %dma_wait3A_378 = arith.constant 0 : i32
    %dma_wait3A_379 = tpu.memref_slice %arg6[%dma_wait3A_374, %dma_wait3A_378] : memref<26x128xi32, #tpu.memory_space<vmem>> -> memref<1x128xi32, #tpu.memory_space<vmem>>
    %dma_wait3A_380 = tpu.memref_squeeze %dma_wait3A_379 : memref<1x128xi32, #tpu.memory_space<vmem>> -> memref<128xi32, #tpu.memory_space<vmem>>
    %dma_wait3A_381 = arith.constant 0 : i32
    %dma_wait3A_382 = arith.constant 0 : i32
    %dma_wait3A_383 = tpu.memref_slice %arg4[%dma_wait3A_381, %dma_wait3A_382] : memref<2600000x16xf32, #tpu.memory_space<hbm>> -> memref<2600000x16xf32, #tpu.memory_space<hbm>>
    tpu.wait_indirect_dma semaphore(%arg10 : memref<!tpu.dma_semaphore, #tpu.memory_space<semaphore_mem>>) src(%dma_wait3A_383 : memref<2600000x16xf32, #tpu.memory_space<hbm>>) dst(%dma_wait3A_377 : memref<128x16xf32, #tpu.memory_space<vmem>>)
    %dma_wait3A_384 = arith.constant 12 : i32
    %dma_wait3A_385 = arith.constant 1536 : i32
    %dma_wait3A_386 = arith.constant 0 : i32
    %dma_wait3A_387 = tpu.memref_slice %arg8[%dma_wait3A_385, %dma_wait3A_386] : memref<3328x16xf32, #tpu.memory_space<vmem>> -> memref<128x16xf32, #tpu.memory_space<vmem>>
    %dma_wait3A_388 = arith.constant 0 : i32
    %dma_wait3A_389 = tpu.memref_slice %arg6[%dma_wait3A_384, %dma_wait3A_388] : memref<26x128xi32, #tpu.memory_space<vmem>> -> memref<1x128xi32, #tpu.memory_space<vmem>>
    %dma_wait3A_390 = tpu.memref_squeeze %dma_wait3A_389 : memref<1x128xi32, #tpu.memory_space<vmem>> -> memref<128xi32, #tpu.memory_space<vmem>>
    %dma_wait3A_391 = arith.constant 0 : i32
    %dma_wait3A_392 = arith.constant 0 : i32
    %dma_wait3A_393 = tpu.memref_slice %arg4[%dma_wait3A_391, %dma_wait3A_392] : memref<2600000x16xf32, #tpu.memory_space<hbm>> -> memref<2600000x16xf32, #tpu.memory_space<hbm>>
    tpu.wait_indirect_dma semaphore(%arg10 : memref<!tpu.dma_semaphore, #tpu.memory_space<semaphore_mem>>) src(%dma_wait3A_393 : memref<2600000x16xf32, #tpu.memory_space<hbm>>) dst(%dma_wait3A_387 : memref<128x16xf32, #tpu.memory_space<vmem>>)
    %dma_wait3A_394 = arith.constant 13 : i32
    %dma_wait3A_395 = arith.constant 1664 : i32
    %dma_wait3A_396 = arith.constant 0 : i32
    %dma_wait3A_397 = tpu.memref_slice %arg8[%dma_wait3A_395, %dma_wait3A_396] : memref<3328x16xf32, #tpu.memory_space<vmem>> -> memref<128x16xf32, #tpu.memory_space<vmem>>
    %dma_wait3A_398 = arith.constant 0 : i32
    %dma_wait3A_399 = tpu.memref_slice %arg6[%dma_wait3A_394, %dma_wait3A_398] : memref<26x128xi32, #tpu.memory_space<vmem>> -> memref<1x128xi32, #tpu.memory_space<vmem>>
    %dma_wait3A_400 = tpu.memref_squeeze %dma_wait3A_399 : memref<1x128xi32, #tpu.memory_space<vmem>> -> memref<128xi32, #tpu.memory_space<vmem>>
    %dma_wait3A_401 = arith.constant 0 : i32
    %dma_wait3A_402 = arith.constant 0 : i32
    %dma_wait3A_403 = tpu.memref_slice %arg4[%dma_wait3A_401, %dma_wait3A_402] : memref<2600000x16xf32, #tpu.memory_space<hbm>> -> memref<2600000x16xf32, #tpu.memory_space<hbm>>
    tpu.wait_indirect_dma semaphore(%arg10 : memref<!tpu.dma_semaphore, #tpu.memory_space<semaphore_mem>>) src(%dma_wait3A_403 : memref<2600000x16xf32, #tpu.memory_space<hbm>>) dst(%dma_wait3A_397 : memref<128x16xf32, #tpu.memory_space<vmem>>)
    %dma_wait3A_404 = arith.constant 14 : i32
    %dma_wait3A_405 = arith.constant 1792 : i32
    %dma_wait3A_406 = arith.constant 0 : i32
    %dma_wait3A_407 = tpu.memref_slice %arg8[%dma_wait3A_405, %dma_wait3A_406] : memref<3328x16xf32, #tpu.memory_space<vmem>> -> memref<128x16xf32, #tpu.memory_space<vmem>>
    %dma_wait3A_408 = arith.constant 0 : i32
    %dma_wait3A_409 = tpu.memref_slice %arg6[%dma_wait3A_404, %dma_wait3A_408] : memref<26x128xi32, #tpu.memory_space<vmem>> -> memref<1x128xi32, #tpu.memory_space<vmem>>
    %dma_wait3A_410 = tpu.memref_squeeze %dma_wait3A_409 : memref<1x128xi32, #tpu.memory_space<vmem>> -> memref<128xi32, #tpu.memory_space<vmem>>
    %dma_wait3A_411 = arith.constant 0 : i32
    %dma_wait3A_412 = arith.constant 0 : i32
    %dma_wait3A_413 = tpu.memref_slice %arg4[%dma_wait3A_411, %dma_wait3A_412] : memref<2600000x16xf32, #tpu.memory_space<hbm>> -> memref<2600000x16xf32, #tpu.memory_space<hbm>>
    tpu.wait_indirect_dma semaphore(%arg10 : memref<!tpu.dma_semaphore, #tpu.memory_space<semaphore_mem>>) src(%dma_wait3A_413 : memref<2600000x16xf32, #tpu.memory_space<hbm>>) dst(%dma_wait3A_407 : memref<128x16xf32, #tpu.memory_space<vmem>>)
    %dma_wait3A_414 = arith.constant 15 : i32
    %dma_wait3A_415 = arith.constant 1920 : i32
    %dma_wait3A_416 = arith.constant 0 : i32
    %dma_wait3A_417 = tpu.memref_slice %arg8[%dma_wait3A_415, %dma_wait3A_416] : memref<3328x16xf32, #tpu.memory_space<vmem>> -> memref<128x16xf32, #tpu.memory_space<vmem>>
    %dma_wait3A_418 = arith.constant 0 : i32
    %dma_wait3A_419 = tpu.memref_slice %arg6[%dma_wait3A_414, %dma_wait3A_418] : memref<26x128xi32, #tpu.memory_space<vmem>> -> memref<1x128xi32, #tpu.memory_space<vmem>>
    %dma_wait3A_420 = tpu.memref_squeeze %dma_wait3A_419 : memref<1x128xi32, #tpu.memory_space<vmem>> -> memref<128xi32, #tpu.memory_space<vmem>>
    %dma_wait3A_421 = arith.constant 0 : i32
    %dma_wait3A_422 = arith.constant 0 : i32
    %dma_wait3A_423 = tpu.memref_slice %arg4[%dma_wait3A_421, %dma_wait3A_422] : memref<2600000x16xf32, #tpu.memory_space<hbm>> -> memref<2600000x16xf32, #tpu.memory_space<hbm>>
    tpu.wait_indirect_dma semaphore(%arg10 : memref<!tpu.dma_semaphore, #tpu.memory_space<semaphore_mem>>) src(%dma_wait3A_423 : memref<2600000x16xf32, #tpu.memory_space<hbm>>) dst(%dma_wait3A_417 : memref<128x16xf32, #tpu.memory_space<vmem>>)
    %dma_wait3A_424 = arith.constant 16 : i32
    %dma_wait3A_425 = arith.constant 2048 : i32
    %dma_wait3A_426 = arith.constant 0 : i32
    %dma_wait3A_427 = tpu.memref_slice %arg8[%dma_wait3A_425, %dma_wait3A_426] : memref<3328x16xf32, #tpu.memory_space<vmem>> -> memref<128x16xf32, #tpu.memory_space<vmem>>
    %dma_wait3A_428 = arith.constant 0 : i32
    %dma_wait3A_429 = tpu.memref_slice %arg6[%dma_wait3A_424, %dma_wait3A_428] : memref<26x128xi32, #tpu.memory_space<vmem>> -> memref<1x128xi32, #tpu.memory_space<vmem>>
    %dma_wait3A_430 = tpu.memref_squeeze %dma_wait3A_429 : memref<1x128xi32, #tpu.memory_space<vmem>> -> memref<128xi32, #tpu.memory_space<vmem>>
    %dma_wait3A_431 = arith.constant 0 : i32
    %dma_wait3A_432 = arith.constant 0 : i32
    %dma_wait3A_433 = tpu.memref_slice %arg4[%dma_wait3A_431, %dma_wait3A_432] : memref<2600000x16xf32, #tpu.memory_space<hbm>> -> memref<2600000x16xf32, #tpu.memory_space<hbm>>
    tpu.wait_indirect_dma semaphore(%arg10 : memref<!tpu.dma_semaphore, #tpu.memory_space<semaphore_mem>>) src(%dma_wait3A_433 : memref<2600000x16xf32, #tpu.memory_space<hbm>>) dst(%dma_wait3A_427 : memref<128x16xf32, #tpu.memory_space<vmem>>)
    %dma_wait3A_434 = arith.constant 17 : i32
    %dma_wait3A_435 = arith.constant 2176 : i32
    %dma_wait3A_436 = arith.constant 0 : i32
    %dma_wait3A_437 = tpu.memref_slice %arg8[%dma_wait3A_435, %dma_wait3A_436] : memref<3328x16xf32, #tpu.memory_space<vmem>> -> memref<128x16xf32, #tpu.memory_space<vmem>>
    %dma_wait3A_438 = arith.constant 0 : i32
    %dma_wait3A_439 = tpu.memref_slice %arg6[%dma_wait3A_434, %dma_wait3A_438] : memref<26x128xi32, #tpu.memory_space<vmem>> -> memref<1x128xi32, #tpu.memory_space<vmem>>
    %dma_wait3A_440 = tpu.memref_squeeze %dma_wait3A_439 : memref<1x128xi32, #tpu.memory_space<vmem>> -> memref<128xi32, #tpu.memory_space<vmem>>
    %dma_wait3A_441 = arith.constant 0 : i32
    %dma_wait3A_442 = arith.constant 0 : i32
    %dma_wait3A_443 = tpu.memref_slice %arg4[%dma_wait3A_441, %dma_wait3A_442] : memref<2600000x16xf32, #tpu.memory_space<hbm>> -> memref<2600000x16xf32, #tpu.memory_space<hbm>>
    tpu.wait_indirect_dma semaphore(%arg10 : memref<!tpu.dma_semaphore, #tpu.memory_space<semaphore_mem>>) src(%dma_wait3A_443 : memref<2600000x16xf32, #tpu.memory_space<hbm>>) dst(%dma_wait3A_437 : memref<128x16xf32, #tpu.memory_space<vmem>>)
    %dma_wait3A_444 = arith.constant 18 : i32
    %dma_wait3A_445 = arith.constant 2304 : i32
    %dma_wait3A_446 = arith.constant 0 : i32
    %dma_wait3A_447 = tpu.memref_slice %arg8[%dma_wait3A_445, %dma_wait3A_446] : memref<3328x16xf32, #tpu.memory_space<vmem>> -> memref<128x16xf32, #tpu.memory_space<vmem>>
    %dma_wait3A_448 = arith.constant 0 : i32
    %dma_wait3A_449 = tpu.memref_slice %arg6[%dma_wait3A_444, %dma_wait3A_448] : memref<26x128xi32, #tpu.memory_space<vmem>> -> memref<1x128xi32, #tpu.memory_space<vmem>>
    %dma_wait3A_450 = tpu.memref_squeeze %dma_wait3A_449 : memref<1x128xi32, #tpu.memory_space<vmem>> -> memref<128xi32, #tpu.memory_space<vmem>>
    %dma_wait3A_451 = arith.constant 0 : i32
    %dma_wait3A_452 = arith.constant 0 : i32
    %dma_wait3A_453 = tpu.memref_slice %arg4[%dma_wait3A_451, %dma_wait3A_452] : memref<2600000x16xf32, #tpu.memory_space<hbm>> -> memref<2600000x16xf32, #tpu.memory_space<hbm>>
    tpu.wait_indirect_dma semaphore(%arg10 : memref<!tpu.dma_semaphore, #tpu.memory_space<semaphore_mem>>) src(%dma_wait3A_453 : memref<2600000x16xf32, #tpu.memory_space<hbm>>) dst(%dma_wait3A_447 : memref<128x16xf32, #tpu.memory_space<vmem>>)
    %dma_wait3A_454 = arith.constant 19 : i32
    %dma_wait3A_455 = arith.constant 2432 : i32
    %dma_wait3A_456 = arith.constant 0 : i32
    %dma_wait3A_457 = tpu.memref_slice %arg8[%dma_wait3A_455, %dma_wait3A_456] : memref<3328x16xf32, #tpu.memory_space<vmem>> -> memref<128x16xf32, #tpu.memory_space<vmem>>
    %dma_wait3A_458 = arith.constant 0 : i32
    %dma_wait3A_459 = tpu.memref_slice %arg6[%dma_wait3A_454, %dma_wait3A_458] : memref<26x128xi32, #tpu.memory_space<vmem>> -> memref<1x128xi32, #tpu.memory_space<vmem>>
    %dma_wait3A_460 = tpu.memref_squeeze %dma_wait3A_459 : memref<1x128xi32, #tpu.memory_space<vmem>> -> memref<128xi32, #tpu.memory_space<vmem>>
    %dma_wait3A_461 = arith.constant 0 : i32
    %dma_wait3A_462 = arith.constant 0 : i32
    %dma_wait3A_463 = tpu.memref_slice %arg4[%dma_wait3A_461, %dma_wait3A_462] : memref<2600000x16xf32, #tpu.memory_space<hbm>> -> memref<2600000x16xf32, #tpu.memory_space<hbm>>
    tpu.wait_indirect_dma semaphore(%arg10 : memref<!tpu.dma_semaphore, #tpu.memory_space<semaphore_mem>>) src(%dma_wait3A_463 : memref<2600000x16xf32, #tpu.memory_space<hbm>>) dst(%dma_wait3A_457 : memref<128x16xf32, #tpu.memory_space<vmem>>)
    %dma_wait3A_464 = arith.constant 20 : i32
    %dma_wait3A_465 = arith.constant 2560 : i32
    %dma_wait3A_466 = arith.constant 0 : i32
    %dma_wait3A_467 = tpu.memref_slice %arg8[%dma_wait3A_465, %dma_wait3A_466] : memref<3328x16xf32, #tpu.memory_space<vmem>> -> memref<128x16xf32, #tpu.memory_space<vmem>>
    %dma_wait3A_468 = arith.constant 0 : i32
    %dma_wait3A_469 = tpu.memref_slice %arg6[%dma_wait3A_464, %dma_wait3A_468] : memref<26x128xi32, #tpu.memory_space<vmem>> -> memref<1x128xi32, #tpu.memory_space<vmem>>
    %dma_wait3A_470 = tpu.memref_squeeze %dma_wait3A_469 : memref<1x128xi32, #tpu.memory_space<vmem>> -> memref<128xi32, #tpu.memory_space<vmem>>
    %dma_wait3A_471 = arith.constant 0 : i32
    %dma_wait3A_472 = arith.constant 0 : i32
    %dma_wait3A_473 = tpu.memref_slice %arg4[%dma_wait3A_471, %dma_wait3A_472] : memref<2600000x16xf32, #tpu.memory_space<hbm>> -> memref<2600000x16xf32, #tpu.memory_space<hbm>>
    tpu.wait_indirect_dma semaphore(%arg10 : memref<!tpu.dma_semaphore, #tpu.memory_space<semaphore_mem>>) src(%dma_wait3A_473 : memref<2600000x16xf32, #tpu.memory_space<hbm>>) dst(%dma_wait3A_467 : memref<128x16xf32, #tpu.memory_space<vmem>>)
    %dma_wait3A_474 = arith.constant 21 : i32
    %dma_wait3A_475 = arith.constant 2688 : i32
    %dma_wait3A_476 = arith.constant 0 : i32
    %dma_wait3A_477 = tpu.memref_slice %arg8[%dma_wait3A_475, %dma_wait3A_476] : memref<3328x16xf32, #tpu.memory_space<vmem>> -> memref<128x16xf32, #tpu.memory_space<vmem>>
    %dma_wait3A_478 = arith.constant 0 : i32
    %dma_wait3A_479 = tpu.memref_slice %arg6[%dma_wait3A_474, %dma_wait3A_478] : memref<26x128xi32, #tpu.memory_space<vmem>> -> memref<1x128xi32, #tpu.memory_space<vmem>>
    %dma_wait3A_480 = tpu.memref_squeeze %dma_wait3A_479 : memref<1x128xi32, #tpu.memory_space<vmem>> -> memref<128xi32, #tpu.memory_space<vmem>>
    %dma_wait3A_481 = arith.constant 0 : i32
    %dma_wait3A_482 = arith.constant 0 : i32
    %dma_wait3A_483 = tpu.memref_slice %arg4[%dma_wait3A_481, %dma_wait3A_482] : memref<2600000x16xf32, #tpu.memory_space<hbm>> -> memref<2600000x16xf32, #tpu.memory_space<hbm>>
    tpu.wait_indirect_dma semaphore(%arg10 : memref<!tpu.dma_semaphore, #tpu.memory_space<semaphore_mem>>) src(%dma_wait3A_483 : memref<2600000x16xf32, #tpu.memory_space<hbm>>) dst(%dma_wait3A_477 : memref<128x16xf32, #tpu.memory_space<vmem>>)
    %dma_wait3A_484 = arith.constant 22 : i32
    %dma_wait3A_485 = arith.constant 2816 : i32
    %dma_wait3A_486 = arith.constant 0 : i32
    %dma_wait3A_487 = tpu.memref_slice %arg8[%dma_wait3A_485, %dma_wait3A_486] : memref<3328x16xf32, #tpu.memory_space<vmem>> -> memref<128x16xf32, #tpu.memory_space<vmem>>
    %dma_wait3A_488 = arith.constant 0 : i32
    %dma_wait3A_489 = tpu.memref_slice %arg6[%dma_wait3A_484, %dma_wait3A_488] : memref<26x128xi32, #tpu.memory_space<vmem>> -> memref<1x128xi32, #tpu.memory_space<vmem>>
    %dma_wait3A_490 = tpu.memref_squeeze %dma_wait3A_489 : memref<1x128xi32, #tpu.memory_space<vmem>> -> memref<128xi32, #tpu.memory_space<vmem>>
    %dma_wait3A_491 = arith.constant 0 : i32
    %dma_wait3A_492 = arith.constant 0 : i32
    %dma_wait3A_493 = tpu.memref_slice %arg4[%dma_wait3A_491, %dma_wait3A_492] : memref<2600000x16xf32, #tpu.memory_space<hbm>> -> memref<2600000x16xf32, #tpu.memory_space<hbm>>
    tpu.wait_indirect_dma semaphore(%arg10 : memref<!tpu.dma_semaphore, #tpu.memory_space<semaphore_mem>>) src(%dma_wait3A_493 : memref<2600000x16xf32, #tpu.memory_space<hbm>>) dst(%dma_wait3A_487 : memref<128x16xf32, #tpu.memory_space<vmem>>)
    %dma_wait3A_494 = arith.constant 23 : i32
    %dma_wait3A_495 = arith.constant 2944 : i32
    %dma_wait3A_496 = arith.constant 0 : i32
    %dma_wait3A_497 = tpu.memref_slice %arg8[%dma_wait3A_495, %dma_wait3A_496] : memref<3328x16xf32, #tpu.memory_space<vmem>> -> memref<128x16xf32, #tpu.memory_space<vmem>>
    %dma_wait3A_498 = arith.constant 0 : i32
    %dma_wait3A_499 = tpu.memref_slice %arg6[%dma_wait3A_494, %dma_wait3A_498] : memref<26x128xi32, #tpu.memory_space<vmem>> -> memref<1x128xi32, #tpu.memory_space<vmem>>
    %dma_wait3A_500 = tpu.memref_squeeze %dma_wait3A_499 : memref<1x128xi32, #tpu.memory_space<vmem>> -> memref<128xi32, #tpu.memory_space<vmem>>
    %dma_wait3A_501 = arith.constant 0 : i32
    %dma_wait3A_502 = arith.constant 0 : i32
    %dma_wait3A_503 = tpu.memref_slice %arg4[%dma_wait3A_501, %dma_wait3A_502] : memref<2600000x16xf32, #tpu.memory_space<hbm>> -> memref<2600000x16xf32, #tpu.memory_space<hbm>>
    tpu.wait_indirect_dma semaphore(%arg10 : memref<!tpu.dma_semaphore, #tpu.memory_space<semaphore_mem>>) src(%dma_wait3A_503 : memref<2600000x16xf32, #tpu.memory_space<hbm>>) dst(%dma_wait3A_497 : memref<128x16xf32, #tpu.memory_space<vmem>>)
    %dma_wait3A_504 = arith.constant 24 : i32
    %dma_wait3A_505 = arith.constant 3072 : i32
    %dma_wait3A_506 = arith.constant 0 : i32
    %dma_wait3A_507 = tpu.memref_slice %arg8[%dma_wait3A_505, %dma_wait3A_506] : memref<3328x16xf32, #tpu.memory_space<vmem>> -> memref<128x16xf32, #tpu.memory_space<vmem>>
    %dma_wait3A_508 = arith.constant 0 : i32
    %dma_wait3A_509 = tpu.memref_slice %arg6[%dma_wait3A_504, %dma_wait3A_508] : memref<26x128xi32, #tpu.memory_space<vmem>> -> memref<1x128xi32, #tpu.memory_space<vmem>>
    %dma_wait3A_510 = tpu.memref_squeeze %dma_wait3A_509 : memref<1x128xi32, #tpu.memory_space<vmem>> -> memref<128xi32, #tpu.memory_space<vmem>>
    %dma_wait3A_511 = arith.constant 0 : i32
    %dma_wait3A_512 = arith.constant 0 : i32
    %dma_wait3A_513 = tpu.memref_slice %arg4[%dma_wait3A_511, %dma_wait3A_512] : memref<2600000x16xf32, #tpu.memory_space<hbm>> -> memref<2600000x16xf32, #tpu.memory_space<hbm>>
    tpu.wait_indirect_dma semaphore(%arg10 : memref<!tpu.dma_semaphore, #tpu.memory_space<semaphore_mem>>) src(%dma_wait3A_513 : memref<2600000x16xf32, #tpu.memory_space<hbm>>) dst(%dma_wait3A_507 : memref<128x16xf32, #tpu.memory_space<vmem>>)
    %dma_wait3A_514 = arith.constant 25 : i32
    %dma_wait3A_515 = arith.constant 3200 : i32
    %dma_wait3A_516 = arith.constant 0 : i32
    %dma_wait3A_517 = tpu.memref_slice %arg8[%dma_wait3A_515, %dma_wait3A_516] : memref<3328x16xf32, #tpu.memory_space<vmem>> -> memref<128x16xf32, #tpu.memory_space<vmem>>
    %dma_wait3A_518 = arith.constant 0 : i32
    %dma_wait3A_519 = tpu.memref_slice %arg6[%dma_wait3A_514, %dma_wait3A_518] : memref<26x128xi32, #tpu.memory_space<vmem>> -> memref<1x128xi32, #tpu.memory_space<vmem>>
    %dma_wait3A_520 = tpu.memref_squeeze %dma_wait3A_519 : memref<1x128xi32, #tpu.memory_space<vmem>> -> memref<128xi32, #tpu.memory_space<vmem>>
    %dma_wait3A_521 = arith.constant 0 : i32
    %dma_wait3A_522 = arith.constant 0 : i32
    %dma_wait3A_523 = tpu.memref_slice %arg4[%dma_wait3A_521, %dma_wait3A_522] : memref<2600000x16xf32, #tpu.memory_space<hbm>> -> memref<2600000x16xf32, #tpu.memory_space<hbm>>
    tpu.wait_indirect_dma semaphore(%arg10 : memref<!tpu.dma_semaphore, #tpu.memory_space<semaphore_mem>>) src(%dma_wait3A_523 : memref<2600000x16xf32, #tpu.memory_space<hbm>>) dst(%dma_wait3A_517 : memref<128x16xf32, #tpu.memory_space<vmem>>)
    %scan3A_524 = arith.constant 0 : i32
    %scan3A_525 = arith.constant 0 : i32
    %scan3A_526 = arith.constant 128 : i32
    %scan3A_527 = arith.addi %scan3A_525, %scan3A_526 : i32
    %scan3A_528 = arith.constant 1 : i32
    scf.for %scan3A_532 = %scan3A_525 to %scan3A_527 step %scan3A_528  : i32 {
      %mul3A_533 = arith.constant 26 : i32
      %mul3A_534 = arith.muli %scan3A_532, %mul3A_533 : i32
      %broadcast_in_dim3A = arith.constant 0.000000e+00 : f32
      %broadcast_in_dim3A_535 = vector.broadcast %broadcast_in_dim3A : f32 to vector<16xf32>
      %broadcast_in_dim3A_536 = arith.constant 0.000000e+00 : f32
      %broadcast_in_dim3A_537 = vector.broadcast %broadcast_in_dim3A_536 : f32 to vector<16xf32>
      %add3A_538 = arith.constant 0 : i32
      %add3A_539 = arith.addi %mul3A_534, %add3A_538 : i32
      %get3A = arith.index_cast %add3A_539 : i32 to index
      %get3A_540 = arith.constant 0 : index
      %get3A_541 = tpu.vector_load %arg8[%get3A, %get3A_540] {strides = array<i32>} : memref<3328x16xf32, #tpu.memory_space<vmem>>, vector<1x16xf32>,
      %get3A_542 = vector.shape_cast %get3A_541 : vector<1x16xf32> to vector<16xf32>
      %add3A_543 = arith.addf %broadcast_in_dim3A_535, %get3A_542 : vector<16xf32>
      %mul3A_544 = arith.mulf %get3A_542, %get3A_542 : vector<16xf32>
      %add3A_545 = arith.addf %broadcast_in_dim3A_537, %mul3A_544 : vector<16xf32>
      %add3A_546 = arith.constant 1 : i32
      %add3A_547 = arith.addi %mul3A_534, %add3A_546 : i32
      %get3A_548 = arith.index_cast %add3A_547 : i32 to index
      %get3A_549 = arith.constant 0 : index
      %get3A_550 = tpu.vector_load %arg8[%get3A_548, %get3A_549] {strides = array<i32>} : memref<3328x16xf32, #tpu.memory_space<vmem>>, vector<1x16xf32>,
      %get3A_551 = vector.shape_cast %get3A_550 : vector<1x16xf32> to vector<16xf32>
      %add3A_552 = arith.addf %add3A_543, %get3A_551 : vector<16xf32>
      %mul3A_553 = arith.mulf %get3A_551, %get3A_551 : vector<16xf32>
      %add3A_554 = arith.addf %add3A_545, %mul3A_553 : vector<16xf32>
      %add3A_555 = arith.constant 2 : i32
      %add3A_556 = arith.addi %mul3A_534, %add3A_555 : i32
      %get3A_557 = arith.index_cast %add3A_556 : i32 to index
      %get3A_558 = arith.constant 0 : index
      %get3A_559 = tpu.vector_load %arg8[%get3A_557, %get3A_558] {strides = array<i32>} : memref<3328x16xf32, #tpu.memory_space<vmem>>, vector<1x16xf32>,
      %get3A_560 = vector.shape_cast %get3A_559 : vector<1x16xf32> to vector<16xf32>
      %add3A_561 = arith.addf %add3A_552, %get3A_560 : vector<16xf32>
      %mul3A_562 = arith.mulf %get3A_560, %get3A_560 : vector<16xf32>
      %add3A_563 = arith.addf %add3A_554, %mul3A_562 : vector<16xf32>
      %add3A_564 = arith.constant 3 : i32
      %add3A_565 = arith.addi %mul3A_534, %add3A_564 : i32
      %get3A_566 = arith.index_cast %add3A_565 : i32 to index
      %get3A_567 = arith.constant 0 : index
      %get3A_568 = tpu.vector_load %arg8[%get3A_566, %get3A_567] {strides = array<i32>} : memref<3328x16xf32, #tpu.memory_space<vmem>>, vector<1x16xf32>,
      %get3A_569 = vector.shape_cast %get3A_568 : vector<1x16xf32> to vector<16xf32>
      %add3A_570 = arith.addf %add3A_561, %get3A_569 : vector<16xf32>
      %mul3A_571 = arith.mulf %get3A_569, %get3A_569 : vector<16xf32>
      %add3A_572 = arith.addf %add3A_563, %mul3A_571 : vector<16xf32>
      %add3A_573 = arith.constant 4 : i32
      %add3A_574 = arith.addi %mul3A_534, %add3A_573 : i32
      %get3A_575 = arith.index_cast %add3A_574 : i32 to index
      %get3A_576 = arith.constant 0 : index
      %get3A_577 = tpu.vector_load %arg8[%get3A_575, %get3A_576] {strides = array<i32>} : memref<3328x16xf32, #tpu.memory_space<vmem>>, vector<1x16xf32>,
      %get3A_578 = vector.shape_cast %get3A_577 : vector<1x16xf32> to vector<16xf32>
      %add3A_579 = arith.addf %add3A_570, %get3A_578 : vector<16xf32>
      %mul3A_580 = arith.mulf %get3A_578, %get3A_578 : vector<16xf32>
      %add3A_581 = arith.addf %add3A_572, %mul3A_580 : vector<16xf32>
      %add3A_582 = arith.constant 5 : i32
      %add3A_583 = arith.addi %mul3A_534, %add3A_582 : i32
      %get3A_584 = arith.index_cast %add3A_583 : i32 to index
      %get3A_585 = arith.constant 0 : index
      %get3A_586 = tpu.vector_load %arg8[%get3A_584, %get3A_585] {strides = array<i32>} : memref<3328x16xf32, #tpu.memory_space<vmem>>, vector<1x16xf32>,
      %get3A_587 = vector.shape_cast %get3A_586 : vector<1x16xf32> to vector<16xf32>
      %add3A_588 = arith.addf %add3A_579, %get3A_587 : vector<16xf32>
      %mul3A_589 = arith.mulf %get3A_587, %get3A_587 : vector<16xf32>
      %add3A_590 = arith.addf %add3A_581, %mul3A_589 : vector<16xf32>
      %add3A_591 = arith.constant 6 : i32
      %add3A_592 = arith.addi %mul3A_534, %add3A_591 : i32
      %get3A_593 = arith.index_cast %add3A_592 : i32 to index
      %get3A_594 = arith.constant 0 : index
      %get3A_595 = tpu.vector_load %arg8[%get3A_593, %get3A_594] {strides = array<i32>} : memref<3328x16xf32, #tpu.memory_space<vmem>>, vector<1x16xf32>,
      %get3A_596 = vector.shape_cast %get3A_595 : vector<1x16xf32> to vector<16xf32>
      %add3A_597 = arith.addf %add3A_588, %get3A_596 : vector<16xf32>
      %mul3A_598 = arith.mulf %get3A_596, %get3A_596 : vector<16xf32>
      %add3A_599 = arith.addf %add3A_590, %mul3A_598 : vector<16xf32>
      %add3A_600 = arith.constant 7 : i32
      %add3A_601 = arith.addi %mul3A_534, %add3A_600 : i32
      %get3A_602 = arith.index_cast %add3A_601 : i32 to index
      %get3A_603 = arith.constant 0 : index
      %get3A_604 = tpu.vector_load %arg8[%get3A_602, %get3A_603] {strides = array<i32>} : memref<3328x16xf32, #tpu.memory_space<vmem>>, vector<1x16xf32>,
      %get3A_605 = vector.shape_cast %get3A_604 : vector<1x16xf32> to vector<16xf32>
      %add3A_606 = arith.addf %add3A_597, %get3A_605 : vector<16xf32>
      %mul3A_607 = arith.mulf %get3A_605, %get3A_605 : vector<16xf32>
      %add3A_608 = arith.addf %add3A_599, %mul3A_607 : vector<16xf32>
      %add3A_609 = arith.constant 8 : i32
      %add3A_610 = arith.addi %mul3A_534, %add3A_609 : i32
      %get3A_611 = arith.index_cast %add3A_610 : i32 to index
      %get3A_612 = arith.constant 0 : index
      %get3A_613 = tpu.vector_load %arg8[%get3A_611, %get3A_612] {strides = array<i32>} : memref<3328x16xf32, #tpu.memory_space<vmem>>, vector<1x16xf32>,
      %get3A_614 = vector.shape_cast %get3A_613 : vector<1x16xf32> to vector<16xf32>
      %add3A_615 = arith.addf %add3A_606, %get3A_614 : vector<16xf32>
      %mul3A_616 = arith.mulf %get3A_614, %get3A_614 : vector<16xf32>
      %add3A_617 = arith.addf %add3A_608, %mul3A_616 : vector<16xf32>
      %add3A_618 = arith.constant 9 : i32
      %add3A_619 = arith.addi %mul3A_534, %add3A_618 : i32
      %get3A_620 = arith.index_cast %add3A_619 : i32 to index
      %get3A_621 = arith.constant 0 : index
      %get3A_622 = tpu.vector_load %arg8[%get3A_620, %get3A_621] {strides = array<i32>} : memref<3328x16xf32, #tpu.memory_space<vmem>>, vector<1x16xf32>,
      %get3A_623 = vector.shape_cast %get3A_622 : vector<1x16xf32> to vector<16xf32>
      %add3A_624 = arith.addf %add3A_615, %get3A_623 : vector<16xf32>
      %mul3A_625 = arith.mulf %get3A_623, %get3A_623 : vector<16xf32>
      %add3A_626 = arith.addf %add3A_617, %mul3A_625 : vector<16xf32>
      %add3A_627 = arith.constant 10 : i32
      %add3A_628 = arith.addi %mul3A_534, %add3A_627 : i32
      %get3A_629 = arith.index_cast %add3A_628 : i32 to index
      %get3A_630 = arith.constant 0 : index
      %get3A_631 = tpu.vector_load %arg8[%get3A_629, %get3A_630] {strides = array<i32>} : memref<3328x16xf32, #tpu.memory_space<vmem>>, vector<1x16xf32>,
      %get3A_632 = vector.shape_cast %get3A_631 : vector<1x16xf32> to vector<16xf32>
      %add3A_633 = arith.addf %add3A_624, %get3A_632 : vector<16xf32>
      %mul3A_634 = arith.mulf %get3A_632, %get3A_632 : vector<16xf32>
      %add3A_635 = arith.addf %add3A_626, %mul3A_634 : vector<16xf32>
      %add3A_636 = arith.constant 11 : i32
      %add3A_637 = arith.addi %mul3A_534, %add3A_636 : i32
      %get3A_638 = arith.index_cast %add3A_637 : i32 to index
      %get3A_639 = arith.constant 0 : index
      %get3A_640 = tpu.vector_load %arg8[%get3A_638, %get3A_639] {strides = array<i32>} : memref<3328x16xf32, #tpu.memory_space<vmem>>, vector<1x16xf32>,
      %get3A_641 = vector.shape_cast %get3A_640 : vector<1x16xf32> to vector<16xf32>
      %add3A_642 = arith.addf %add3A_633, %get3A_641 : vector<16xf32>
      %mul3A_643 = arith.mulf %get3A_641, %get3A_641 : vector<16xf32>
      %add3A_644 = arith.addf %add3A_635, %mul3A_643 : vector<16xf32>
      %add3A_645 = arith.constant 12 : i32
      %add3A_646 = arith.addi %mul3A_534, %add3A_645 : i32
      %get3A_647 = arith.index_cast %add3A_646 : i32 to index
      %get3A_648 = arith.constant 0 : index
      %get3A_649 = tpu.vector_load %arg8[%get3A_647, %get3A_648] {strides = array<i32>} : memref<3328x16xf32, #tpu.memory_space<vmem>>, vector<1x16xf32>,
      %get3A_650 = vector.shape_cast %get3A_649 : vector<1x16xf32> to vector<16xf32>
      %add3A_651 = arith.addf %add3A_642, %get3A_650 : vector<16xf32>
      %mul3A_652 = arith.mulf %get3A_650, %get3A_650 : vector<16xf32>
      %add3A_653 = arith.addf %add3A_644, %mul3A_652 : vector<16xf32>
      %add3A_654 = arith.constant 13 : i32
      %add3A_655 = arith.addi %mul3A_534, %add3A_654 : i32
      %get3A_656 = arith.index_cast %add3A_655 : i32 to index
      %get3A_657 = arith.constant 0 : index
      %get3A_658 = tpu.vector_load %arg8[%get3A_656, %get3A_657] {strides = array<i32>} : memref<3328x16xf32, #tpu.memory_space<vmem>>, vector<1x16xf32>,
      %get3A_659 = vector.shape_cast %get3A_658 : vector<1x16xf32> to vector<16xf32>
      %add3A_660 = arith.addf %add3A_651, %get3A_659 : vector<16xf32>
      %mul3A_661 = arith.mulf %get3A_659, %get3A_659 : vector<16xf32>
      %add3A_662 = arith.addf %add3A_653, %mul3A_661 : vector<16xf32>
      %add3A_663 = arith.constant 14 : i32
      %add3A_664 = arith.addi %mul3A_534, %add3A_663 : i32
      %get3A_665 = arith.index_cast %add3A_664 : i32 to index
      %get3A_666 = arith.constant 0 : index
      %get3A_667 = tpu.vector_load %arg8[%get3A_665, %get3A_666] {strides = array<i32>} : memref<3328x16xf32, #tpu.memory_space<vmem>>, vector<1x16xf32>,
      %get3A_668 = vector.shape_cast %get3A_667 : vector<1x16xf32> to vector<16xf32>
      %add3A_669 = arith.addf %add3A_660, %get3A_668 : vector<16xf32>
      %mul3A_670 = arith.mulf %get3A_668, %get3A_668 : vector<16xf32>
      %add3A_671 = arith.addf %add3A_662, %mul3A_670 : vector<16xf32>
      %add3A_672 = arith.constant 15 : i32
      %add3A_673 = arith.addi %mul3A_534, %add3A_672 : i32
      %get3A_674 = arith.index_cast %add3A_673 : i32 to index
      %get3A_675 = arith.constant 0 : index
      %get3A_676 = tpu.vector_load %arg8[%get3A_674, %get3A_675] {strides = array<i32>} : memref<3328x16xf32, #tpu.memory_space<vmem>>, vector<1x16xf32>,
      %get3A_677 = vector.shape_cast %get3A_676 : vector<1x16xf32> to vector<16xf32>
      %add3A_678 = arith.addf %add3A_669, %get3A_677 : vector<16xf32>
      %mul3A_679 = arith.mulf %get3A_677, %get3A_677 : vector<16xf32>
      %add3A_680 = arith.addf %add3A_671, %mul3A_679 : vector<16xf32>
      %add3A_681 = arith.constant 16 : i32
      %add3A_682 = arith.addi %mul3A_534, %add3A_681 : i32
      %get3A_683 = arith.index_cast %add3A_682 : i32 to index
      %get3A_684 = arith.constant 0 : index
      %get3A_685 = tpu.vector_load %arg8[%get3A_683, %get3A_684] {strides = array<i32>} : memref<3328x16xf32, #tpu.memory_space<vmem>>, vector<1x16xf32>,
      %get3A_686 = vector.shape_cast %get3A_685 : vector<1x16xf32> to vector<16xf32>
      %add3A_687 = arith.addf %add3A_678, %get3A_686 : vector<16xf32>
      %mul3A_688 = arith.mulf %get3A_686, %get3A_686 : vector<16xf32>
      %add3A_689 = arith.addf %add3A_680, %mul3A_688 : vector<16xf32>
      %add3A_690 = arith.constant 17 : i32
      %add3A_691 = arith.addi %mul3A_534, %add3A_690 : i32
      %get3A_692 = arith.index_cast %add3A_691 : i32 to index
      %get3A_693 = arith.constant 0 : index
      %get3A_694 = tpu.vector_load %arg8[%get3A_692, %get3A_693] {strides = array<i32>} : memref<3328x16xf32, #tpu.memory_space<vmem>>, vector<1x16xf32>,
      %get3A_695 = vector.shape_cast %get3A_694 : vector<1x16xf32> to vector<16xf32>
      %add3A_696 = arith.addf %add3A_687, %get3A_695 : vector<16xf32>
      %mul3A_697 = arith.mulf %get3A_695, %get3A_695 : vector<16xf32>
      %add3A_698 = arith.addf %add3A_689, %mul3A_697 : vector<16xf32>
      %add3A_699 = arith.constant 18 : i32
      %add3A_700 = arith.addi %mul3A_534, %add3A_699 : i32
      %get3A_701 = arith.index_cast %add3A_700 : i32 to index
      %get3A_702 = arith.constant 0 : index
      %get3A_703 = tpu.vector_load %arg8[%get3A_701, %get3A_702] {strides = array<i32>} : memref<3328x16xf32, #tpu.memory_space<vmem>>, vector<1x16xf32>,
      %get3A_704 = vector.shape_cast %get3A_703 : vector<1x16xf32> to vector<16xf32>
      %add3A_705 = arith.addf %add3A_696, %get3A_704 : vector<16xf32>
      %mul3A_706 = arith.mulf %get3A_704, %get3A_704 : vector<16xf32>
      %add3A_707 = arith.addf %add3A_698, %mul3A_706 : vector<16xf32>
      %add3A_708 = arith.constant 19 : i32
      %add3A_709 = arith.addi %mul3A_534, %add3A_708 : i32
      %get3A_710 = arith.index_cast %add3A_709 : i32 to index
      %get3A_711 = arith.constant 0 : index
      %get3A_712 = tpu.vector_load %arg8[%get3A_710, %get3A_711] {strides = array<i32>} : memref<3328x16xf32, #tpu.memory_space<vmem>>, vector<1x16xf32>,
      %get3A_713 = vector.shape_cast %get3A_712 : vector<1x16xf32> to vector<16xf32>
      %add3A_714 = arith.addf %add3A_705, %get3A_713 : vector<16xf32>
      %mul3A_715 = arith.mulf %get3A_713, %get3A_713 : vector<16xf32>
      %add3A_716 = arith.addf %add3A_707, %mul3A_715 : vector<16xf32>
      %add3A_717 = arith.constant 20 : i32
      %add3A_718 = arith.addi %mul3A_534, %add3A_717 : i32
      %get3A_719 = arith.index_cast %add3A_718 : i32 to index
      %get3A_720 = arith.constant 0 : index
      %get3A_721 = tpu.vector_load %arg8[%get3A_719, %get3A_720] {strides = array<i32>} : memref<3328x16xf32, #tpu.memory_space<vmem>>, vector<1x16xf32>,
      %get3A_722 = vector.shape_cast %get3A_721 : vector<1x16xf32> to vector<16xf32>
      %add3A_723 = arith.addf %add3A_714, %get3A_722 : vector<16xf32>
      %mul3A_724 = arith.mulf %get3A_722, %get3A_722 : vector<16xf32>
      %add3A_725 = arith.addf %add3A_716, %mul3A_724 : vector<16xf32>
      %add3A_726 = arith.constant 21 : i32
      %add3A_727 = arith.addi %mul3A_534, %add3A_726 : i32
      %get3A_728 = arith.index_cast %add3A_727 : i32 to index
      %get3A_729 = arith.constant 0 : index
      %get3A_730 = tpu.vector_load %arg8[%get3A_728, %get3A_729] {strides = array<i32>} : memref<3328x16xf32, #tpu.memory_space<vmem>>, vector<1x16xf32>,
      %get3A_731 = vector.shape_cast %get3A_730 : vector<1x16xf32> to vector<16xf32>
      %add3A_732 = arith.addf %add3A_723, %get3A_731 : vector<16xf32>
      %mul3A_733 = arith.mulf %get3A_731, %get3A_731 : vector<16xf32>
      %add3A_734 = arith.addf %add3A_725, %mul3A_733 : vector<16xf32>
      %add3A_735 = arith.constant 22 : i32
      %add3A_736 = arith.addi %mul3A_534, %add3A_735 : i32
      %get3A_737 = arith.index_cast %add3A_736 : i32 to index
      %get3A_738 = arith.constant 0 : index
      %get3A_739 = tpu.vector_load %arg8[%get3A_737, %get3A_738] {strides = array<i32>} : memref<3328x16xf32, #tpu.memory_space<vmem>>, vector<1x16xf32>,
      %get3A_740 = vector.shape_cast %get3A_739 : vector<1x16xf32> to vector<16xf32>
      %add3A_741 = arith.addf %add3A_732, %get3A_740 : vector<16xf32>
      %mul3A_742 = arith.mulf %get3A_740, %get3A_740 : vector<16xf32>
      %add3A_743 = arith.addf %add3A_734, %mul3A_742 : vector<16xf32>
      %add3A_744 = arith.constant 23 : i32
      %add3A_745 = arith.addi %mul3A_534, %add3A_744 : i32
      %get3A_746 = arith.index_cast %add3A_745 : i32 to index
      %get3A_747 = arith.constant 0 : index
      %get3A_748 = tpu.vector_load %arg8[%get3A_746, %get3A_747] {strides = array<i32>} : memref<3328x16xf32, #tpu.memory_space<vmem>>, vector<1x16xf32>,
      %get3A_749 = vector.shape_cast %get3A_748 : vector<1x16xf32> to vector<16xf32>
      %add3A_750 = arith.addf %add3A_741, %get3A_749 : vector<16xf32>
      %mul3A_751 = arith.mulf %get3A_749, %get3A_749 : vector<16xf32>
      %add3A_752 = arith.addf %add3A_743, %mul3A_751 : vector<16xf32>
      %add3A_753 = arith.constant 24 : i32
      %add3A_754 = arith.addi %mul3A_534, %add3A_753 : i32
      %get3A_755 = arith.index_cast %add3A_754 : i32 to index
      %get3A_756 = arith.constant 0 : index
      %get3A_757 = tpu.vector_load %arg8[%get3A_755, %get3A_756] {strides = array<i32>} : memref<3328x16xf32, #tpu.memory_space<vmem>>, vector<1x16xf32>,
      %get3A_758 = vector.shape_cast %get3A_757 : vector<1x16xf32> to vector<16xf32>
      %add3A_759 = arith.addf %add3A_750, %get3A_758 : vector<16xf32>
      %mul3A_760 = arith.mulf %get3A_758, %get3A_758 : vector<16xf32>
      %add3A_761 = arith.addf %add3A_752, %mul3A_760 : vector<16xf32>
      %add3A_762 = arith.constant 25 : i32
      %add3A_763 = arith.addi %mul3A_534, %add3A_762 : i32
      %get3A_764 = arith.index_cast %add3A_763 : i32 to index
      %get3A_765 = arith.constant 0 : index
      %get3A_766 = tpu.vector_load %arg8[%get3A_764, %get3A_765] {strides = array<i32>} : memref<3328x16xf32, #tpu.memory_space<vmem>>, vector<1x16xf32>,
      %get3A_767 = vector.shape_cast %get3A_766 : vector<1x16xf32> to vector<16xf32>
      %add3A_768 = arith.addf %add3A_759, %get3A_767 : vector<16xf32>
      %mul3A_769 = arith.mulf %get3A_767, %get3A_767 : vector<16xf32>
      %add3A_770 = arith.addf %add3A_761, %mul3A_769 : vector<16xf32>
      %mul3A_771 = arith.mulf %add3A_768, %add3A_768 : vector<16xf32>
      %sub3A = arith.subf %mul3A_771, %add3A_770 : vector<16xf32>
      %mul3A_772 = arith.constant 5.000000e-01 : f32
      %mul3A_773 = vector.broadcast %mul3A_772 : f32 to vector<16xf32>
      %mul3A_774 = arith.mulf %mul3A_773, %sub3A : vector<16xf32>
      %swap3A = arith.index_cast %scan3A_532 : i32 to index
      %swap3A_775 = arith.constant 0 : index
      %swap3A_776 = tpu.vector_load %arg9[%swap3A, %swap3A_775] {strides = array<i32>} : memref<128x16xf32, #tpu.memory_space<vmem>>, vector<1x16xf32>,
      %swap3A_777 = vector.shape_cast %swap3A_776 : vector<1x16xf32> to vector<16xf32>
      %swap3A_778 = vector.shape_cast %mul3A_774 : vector<16xf32> to vector<1x16xf32>
      tpu.vector_store %arg9[%swap3A, %swap3A_775], %swap3A_778 {strides = array<i32>} : memref<128x16xf32, #tpu.memory_space<vmem>>, vector<1x16xf32>,
    }
    %scan3A_529 = arith.constant 128 : i32
    %mul3A_530 = arith.constant 128 : i32
    %mul3A_531 = arith.muli %add3A, %mul3A_530 : i32
    "tpu.region"() ({
      %run_scoped3A = tpu.sem_alloc : memref<!tpu.dma_semaphore, #tpu.memory_space<semaphore_mem>>
      %dma_start3A_532 = arith.constant 0 : i32
      %dma_start3A_533 = tpu.memref_slice %arg5[%mul3A_531, %dma_start3A_532] : memref<4096x16xf32, #tpu.memory_space<hbm>> -> memref<128x16xf32, #tpu.memory_space<hbm>>
      %dma_start3A_534 = arith.constant 0 : i32
      %dma_start3A_535 = tpu.memref_slice %arg5[%mul3A_531, %dma_start3A_534] : memref<4096x16xf32, #tpu.memory_space<hbm>> -> memref<128x16xf32, #tpu.memory_space<hbm>>
      tpu.enqueue_dma source(%arg9 : memref<128x16xf32, #tpu.memory_space<vmem>>) target(%dma_start3A_535 : memref<128x16xf32, #tpu.memory_space<hbm>>) target_semaphore(%run_scoped3A : memref<!tpu.dma_semaphore, #tpu.memory_space<semaphore_mem>>)
      %dma_wait3A_536 = arith.constant 0 : i32
      %dma_wait3A_537 = tpu.memref_slice %arg5[%mul3A_531, %dma_wait3A_536] : memref<4096x16xf32, #tpu.memory_space<hbm>> -> memref<128x16xf32, #tpu.memory_space<hbm>>
      %dma_wait3A_538 = arith.constant 0 : i32
      %dma_wait3A_539 = tpu.memref_slice %arg5[%mul3A_531, %dma_wait3A_538] : memref<4096x16xf32, #tpu.memory_space<hbm>> -> memref<128x16xf32, #tpu.memory_space<hbm>>
      tpu.wait_dma2 semaphore(%run_scoped3A : memref<!tpu.dma_semaphore, #tpu.memory_space<semaphore_mem>>) src(%arg9 : memref<128x16xf32, #tpu.memory_space<vmem>>) dst(%dma_wait3A_539 : memref<128x16xf32, #tpu.memory_space<hbm>>)
      tpu.yield
    }) : () -> ()
    return
  }
}

module attributes {stable_mosaic.version = 14 : i64} {
  func.func @_pack_body(%arg0: i32, %arg1: i32, %arg2: memref<16x12544xf32, #tpu.memory_space<vmem>>, %arg3: memref<1x12544x16xf32, #tpu.memory_space<vmem>>) attributes {dimension_semantics = [#tpu.dimension_semantics<arbitrary>, #tpu.dimension_semantics<arbitrary>], iteration_bounds = array<i64: 26, 8>, scalar_prefetch = 0 : i64, scratch_operands = 0 : i64, tpu.core_type = #tpu.core_type<tc>, window_params = [{transform_indices = @transform_0, window_bounds = array<i64: 16, 12544>}, {transform_indices = @transform_1, window_bounds = array<i64: 1, 12544, 16>}]} {
    %get3A = arith.constant 0 : index
    %get3A_0 = arith.constant 0 : index
    %get3A_1 = vector.load %arg2[%get3A, %get3A_0] : memref<16x12544xf32, #tpu.memory_space<vmem>>, vector<16x12544xf32>
    %iota3A = tpu.iota {dimensions = array<i32: 0>} : vector<16x16xi32>
    %iota3A_2 = tpu.iota {dimensions = array<i32: 1>} : vector<16x16xi32>
    %add3A = arith.constant 0 : i32
    %add3A_3 = vector.broadcast %add3A : i32 to vector<16x16xi32>
    %add3A_4 = arith.addi %iota3A, %add3A_3 : vector<16x16xi32>
    %eq3A = arith.cmpi eq, %add3A_4, %iota3A_2 : vector<16x16xi32>
    %convert_element_type3A = arith.extui %eq3A : vector<16x16xi1> to vector<16x16xi32>
    %convert_element_type3A_5 = arith.sitofp %convert_element_type3A : vector<16x16xi32> to vector<16x16xf32>
    %dot_general3A = arith.constant dense<0.000000e+00> : vector<12544x16xf32>
    %dot_general3A_6 = tpu.matmul %get3A_1, %convert_element_type3A_5, %dot_general3A {dimension_numbers = #tpu.dot_dimension_numbers<[0], [0], [1], [1], [0, 1, 1, 1], [], []>, transpose_lhs_hint = false} : vector<16x12544xf32>, vector<16x16xf32>, vector<12544x16xf32> -> vector<12544x16xf32>
    %swap3A = arith.constant 0 : index
    %swap3A_7 = arith.constant 0 : index
    %swap3A_8 = arith.constant 0 : index
    %swap3A_9 = vector.load %arg3[%swap3A, %swap3A_7, %swap3A_8] : memref<1x12544x16xf32, #tpu.memory_space<vmem>>, vector<1x12544x16xf32>
    %swap3A_10 = vector.shape_cast %swap3A_9 : vector<1x12544x16xf32> to vector<12544x16xf32>
    %swap3A_11 = vector.shape_cast %dot_general3A_6 : vector<12544x16xf32> to vector<1x12544x16xf32>
    tpu.vector_store %arg3[%swap3A, %swap3A_7, %swap3A_8], %swap3A_11 {strides = array<i32>} : memref<1x12544x16xf32, #tpu.memory_space<vmem>>, vector<1x12544x16xf32>,
    return
  }
  func.func @transform_0(%arg0: i32, %arg1: i32) -> (i32, i32) {
    %c0_i32 = arith.constant 0 : i32
    return %arg0, %arg1 : i32, i32
  }
  func.func @transform_1(%arg0: i32, %arg1: i32) -> (i32, i32, i32) {
    %c0_i32 = arith.constant 0 : i32
    %c0_i32_0 = arith.constant 0 : i32
    return %arg0, %arg1, %c0_i32 : i32, i32, i32
  }
}

module attributes {stable_mosaic.version = 14 : i64} {
  func.func @_mlp_body(%arg0: memref<4096x13xf32, #tpu.memory_space<vmem>>, %arg1: memref<4096x16xf32, #tpu.memory_space<vmem>>, %arg2: memref<1x13xf32, #tpu.memory_space<vmem>>, %arg3: memref<1x16xf32, #tpu.memory_space<vmem>>, %arg4: memref<1x13xf32, #tpu.memory_space<vmem>>, %arg5: memref<1x16xf32, #tpu.memory_space<vmem>>, %arg6: memref<13x256xf32, #tpu.memory_space<vmem>>, %arg7: memref<16x256xf32, #tpu.memory_space<vmem>>, %arg8: memref<1x256xf32, #tpu.memory_space<vmem>>, %arg9: memref<256x128xf32, #tpu.memory_space<vmem>>, %arg10: memref<1x128xf32, #tpu.memory_space<vmem>>, %arg11: memref<128x64xf32, #tpu.memory_space<vmem>>, %arg12: memref<1x64xf32, #tpu.memory_space<vmem>>, %arg13: memref<64x1xf32, #tpu.memory_space<vmem>>, %arg14: memref<1x1xf32, #tpu.memory_space<vmem>>, %arg15: memref<4096x1xf32, #tpu.memory_space<vmem>>) attributes {dimension_semantics = [], scalar_prefetch = 0 : i64, scratch_operands = 0 : i64, tpu.core_type = #tpu.core_type<tc>} {
    %get3A = arith.constant 0 : index
    %get3A_0 = arith.constant 0 : index
    %get3A_1 = vector.load %arg0[%get3A, %get3A_0] : memref<4096x13xf32, #tpu.memory_space<vmem>>, vector<4096x13xf32>
    %get3A_2 = arith.constant 0 : index
    %get3A_3 = arith.constant 0 : index
    %get3A_4 = vector.load %arg1[%get3A_2, %get3A_3] : memref<4096x16xf32, #tpu.memory_space<vmem>>, vector<4096x16xf32>
    %reduce_sum3A = arith.constant dense<0.000000e+00> : vector<13xf32>
    %reduce_sum3A_5 = vector.multi_reduction <add>, %get3A_1, %reduce_sum3A [0] : vector<4096x13xf32> to vector<13xf32>
    %broadcast_in_dim3A = vector.shape_cast %reduce_sum3A_5 : vector<13xf32> to vector<1x13xf32>
    %div3A = arith.constant 4.096000e+03 : f32
    %div3A_6 = vector.broadcast %div3A : f32 to vector<1x13xf32>
    %div3A_7 = arith.divf %broadcast_in_dim3A, %div3A_6 : vector<1x13xf32>
    %sub3A = vector.broadcast %div3A_7 : vector<1x13xf32> to vector<4096x13xf32>
    %sub3A_8 = arith.subf %get3A_1, %sub3A : vector<4096x13xf32>
    %mul3A = arith.mulf %sub3A_8, %sub3A_8 : vector<4096x13xf32>
    %reduce_sum3A_9 = arith.constant dense<0.000000e+00> : vector<13xf32>
    %reduce_sum3A_10 = vector.multi_reduction <add>, %mul3A, %reduce_sum3A_9 [0] : vector<4096x13xf32> to vector<13xf32>
    %broadcast_in_dim3A_11 = vector.shape_cast %reduce_sum3A_10 : vector<13xf32> to vector<1x13xf32>
    %div3A_12 = arith.constant 4.096000e+03 : f32
    %div3A_13 = vector.broadcast %div3A_12 : f32 to vector<1x13xf32>
    %div3A_14 = arith.divf %broadcast_in_dim3A_11, %div3A_13 : vector<1x13xf32>
    %get3A_15 = arith.constant 0 : index
    %get3A_16 = arith.constant 0 : index
    %get3A_17 = vector.load %arg2[%get3A_15, %get3A_16] : memref<1x13xf32, #tpu.memory_space<vmem>>, vector<1x13xf32>
    %mul3A_18 = vector.broadcast %get3A_17 : vector<1x13xf32> to vector<4096x13xf32>
    %mul3A_19 = arith.mulf %mul3A_18, %sub3A_8 : vector<4096x13xf32>
    %add3A = arith.constant 1.000000e-03 : f32
    %add3A_20 = vector.broadcast %add3A : f32 to vector<1x13xf32>
    %add3A_21 = arith.addf %div3A_14, %add3A_20 : vector<1x13xf32>
    %rsqrt3A = math.rsqrt %add3A_21 : vector<1x13xf32>
    %mul3A_22 = vector.broadcast %rsqrt3A : vector<1x13xf32> to vector<4096x13xf32>
    %mul3A_23 = arith.mulf %mul3A_19, %mul3A_22 : vector<4096x13xf32>
    %get3A_24 = arith.constant 0 : index
    %get3A_25 = arith.constant 0 : index
    %get3A_26 = vector.load %arg4[%get3A_24, %get3A_25] : memref<1x13xf32, #tpu.memory_space<vmem>>, vector<1x13xf32>
    %add3A_27 = vector.broadcast %get3A_26 : vector<1x13xf32> to vector<4096x13xf32>
    %add3A_28 = arith.addf %mul3A_23, %add3A_27 : vector<4096x13xf32>
    %reduce_sum3A_29 = arith.constant dense<0.000000e+00> : vector<16xf32>
    %reduce_sum3A_30 = vector.multi_reduction <add>, %get3A_4, %reduce_sum3A_29 [0] : vector<4096x16xf32> to vector<16xf32>
    %broadcast_in_dim3A_31 = vector.shape_cast %reduce_sum3A_30 : vector<16xf32> to vector<1x16xf32>
    %div3A_32 = arith.constant 4.096000e+03 : f32
    %div3A_33 = vector.broadcast %div3A_32 : f32 to vector<1x16xf32>
    %div3A_34 = arith.divf %broadcast_in_dim3A_31, %div3A_33 : vector<1x16xf32>
    %sub3A_35 = vector.broadcast %div3A_34 : vector<1x16xf32> to vector<4096x16xf32>
    %sub3A_36 = arith.subf %get3A_4, %sub3A_35 : vector<4096x16xf32>
    %mul3A_37 = arith.mulf %sub3A_36, %sub3A_36 : vector<4096x16xf32>
    %reduce_sum3A_38 = arith.constant dense<0.000000e+00> : vector<16xf32>
    %reduce_sum3A_39 = vector.multi_reduction <add>, %mul3A_37, %reduce_sum3A_38 [0] : vector<4096x16xf32> to vector<16xf32>
    %broadcast_in_dim3A_40 = vector.shape_cast %reduce_sum3A_39 : vector<16xf32> to vector<1x16xf32>
    %div3A_41 = arith.constant 4.096000e+03 : f32
    %div3A_42 = vector.broadcast %div3A_41 : f32 to vector<1x16xf32>
    %div3A_43 = arith.divf %broadcast_in_dim3A_40, %div3A_42 : vector<1x16xf32>
    %get3A_44 = arith.constant 0 : index
    %get3A_45 = arith.constant 0 : index
    %get3A_46 = vector.load %arg3[%get3A_44, %get3A_45] : memref<1x16xf32, #tpu.memory_space<vmem>>, vector<1x16xf32>
    %mul3A_47 = vector.broadcast %get3A_46 : vector<1x16xf32> to vector<4096x16xf32>
    %mul3A_48 = arith.mulf %mul3A_47, %sub3A_36 : vector<4096x16xf32>
    %add3A_49 = arith.constant 1.000000e-03 : f32
    %add3A_50 = vector.broadcast %add3A_49 : f32 to vector<1x16xf32>
    %add3A_51 = arith.addf %div3A_43, %add3A_50 : vector<1x16xf32>
    %rsqrt3A_52 = math.rsqrt %add3A_51 : vector<1x16xf32>
    %mul3A_53 = vector.broadcast %rsqrt3A_52 : vector<1x16xf32> to vector<4096x16xf32>
    %mul3A_54 = arith.mulf %mul3A_48, %mul3A_53 : vector<4096x16xf32>
    %get3A_55 = arith.constant 0 : index
    %get3A_56 = arith.constant 0 : index
    %get3A_57 = vector.load %arg5[%get3A_55, %get3A_56] : memref<1x16xf32, #tpu.memory_space<vmem>>, vector<1x16xf32>
    %add3A_58 = vector.broadcast %get3A_57 : vector<1x16xf32> to vector<4096x16xf32>
    %add3A_59 = arith.addf %mul3A_54, %add3A_58 : vector<4096x16xf32>
    %get3A_60 = arith.constant 0 : index
    %get3A_61 = arith.constant 0 : index
    %get3A_62 = vector.load %arg6[%get3A_60, %get3A_61] : memref<13x256xf32, #tpu.memory_space<vmem>>, vector<13x256xf32>
    %dot_general3A = arith.constant dense<0.000000e+00> : vector<4096x256xf32>
    %dot_general3A_63 = tpu.matmul %add3A_28, %get3A_62, %dot_general3A {dimension_numbers = #tpu.dot_dimension_numbers<[1], [0], [0], [1], [0, 0, 1, 1], [], []>, transpose_lhs_hint = false} : vector<4096x13xf32>, vector<13x256xf32>, vector<4096x256xf32> -> vector<4096x256xf32>
    %get3A_64 = arith.constant 0 : index
    %get3A_65 = arith.constant 0 : index
    %get3A_66 = vector.load %arg7[%get3A_64, %get3A_65] : memref<16x256xf32, #tpu.memory_space<vmem>>, vector<16x256xf32>
    %dot_general3A_67 = arith.constant dense<0.000000e+00> : vector<4096x256xf32>
    %dot_general3A_68 = tpu.matmul %add3A_59, %get3A_66, %dot_general3A_67 {dimension_numbers = #tpu.dot_dimension_numbers<[1], [0], [0], [1], [0, 0, 1, 1], [], []>, transpose_lhs_hint = false} : vector<4096x16xf32>, vector<16x256xf32>, vector<4096x256xf32> -> vector<4096x256xf32>
    %add3A_69 = arith.addf %dot_general3A_63, %dot_general3A_68 : vector<4096x256xf32>
    %get3A_70 = arith.constant 0 : index
    %get3A_71 = arith.constant 0 : index
    %get3A_72 = vector.load %arg8[%get3A_70, %get3A_71] : memref<1x256xf32, #tpu.memory_space<vmem>>, vector<1x256xf32>
    %add3A_73 = vector.broadcast %get3A_72 : vector<1x256xf32> to vector<4096x256xf32>
    %add3A_74 = arith.addf %add3A_69, %add3A_73 : vector<4096x256xf32>
    %max3A = arith.constant 0.000000e+00 : f32
    %max3A_75 = vector.broadcast %max3A : f32 to vector<4096x256xf32>
    %max3A_76 = arith.maximumf %add3A_74, %max3A_75 : vector<4096x256xf32>
    %get3A_77 = arith.constant 0 : index
    %get3A_78 = arith.constant 0 : index
    %get3A_79 = vector.load %arg9[%get3A_77, %get3A_78] : memref<256x128xf32, #tpu.memory_space<vmem>>, vector<256x128xf32>
    %dot_general3A_80 = arith.constant dense<0.000000e+00> : vector<4096x128xf32>
    %dot_general3A_81 = tpu.matmul %max3A_76, %get3A_79, %dot_general3A_80 {dimension_numbers = #tpu.dot_dimension_numbers<[1], [0], [0], [1], [0, 0, 1, 1], [], []>, transpose_lhs_hint = false} : vector<4096x256xf32>, vector<256x128xf32>, vector<4096x128xf32> -> vector<4096x128xf32>
    %get3A_82 = arith.constant 0 : index
    %get3A_83 = arith.constant 0 : index
    %get3A_84 = vector.load %arg10[%get3A_82, %get3A_83] : memref<1x128xf32, #tpu.memory_space<vmem>>, vector<1x128xf32>
    %add3A_85 = vector.broadcast %get3A_84 : vector<1x128xf32> to vector<4096x128xf32>
    %add3A_86 = arith.addf %dot_general3A_81, %add3A_85 : vector<4096x128xf32>
    %max3A_87 = arith.constant 0.000000e+00 : f32
    %max3A_88 = vector.broadcast %max3A_87 : f32 to vector<4096x128xf32>
    %max3A_89 = arith.maximumf %add3A_86, %max3A_88 : vector<4096x128xf32>
    %get3A_90 = arith.constant 0 : index
    %get3A_91 = arith.constant 0 : index
    %get3A_92 = vector.load %arg11[%get3A_90, %get3A_91] : memref<128x64xf32, #tpu.memory_space<vmem>>, vector<128x64xf32>
    %dot_general3A_93 = arith.constant dense<0.000000e+00> : vector<4096x64xf32>
    %dot_general3A_94 = tpu.matmul %max3A_89, %get3A_92, %dot_general3A_93 {dimension_numbers = #tpu.dot_dimension_numbers<[1], [0], [0], [1], [0, 0, 1, 1], [], []>, transpose_lhs_hint = false} : vector<4096x128xf32>, vector<128x64xf32>, vector<4096x64xf32> -> vector<4096x64xf32>
    %get3A_95 = arith.constant 0 : index
    %get3A_96 = arith.constant 0 : index
    %get3A_97 = vector.load %arg12[%get3A_95, %get3A_96] : memref<1x64xf32, #tpu.memory_space<vmem>>, vector<1x64xf32>
    %add3A_98 = vector.broadcast %get3A_97 : vector<1x64xf32> to vector<4096x64xf32>
    %add3A_99 = arith.addf %dot_general3A_94, %add3A_98 : vector<4096x64xf32>
    %max3A_100 = arith.constant 0.000000e+00 : f32
    %max3A_101 = vector.broadcast %max3A_100 : f32 to vector<4096x64xf32>
    %max3A_102 = arith.maximumf %add3A_99, %max3A_101 : vector<4096x64xf32>
    %get3A_103 = arith.constant 0 : index
    %get3A_104 = arith.constant 0 : index
    %get3A_105 = vector.load %arg13[%get3A_103, %get3A_104] : memref<64x1xf32, #tpu.memory_space<vmem>>, vector<64x1xf32>
    %dot_general3A_106 = arith.constant dense<0.000000e+00> : vector<4096x1xf32>
    %dot_general3A_107 = tpu.matmul %max3A_102, %get3A_105, %dot_general3A_106 {dimension_numbers = #tpu.dot_dimension_numbers<[1], [0], [0], [1], [0, 0, 1, 1], [], []>, transpose_lhs_hint = false} : vector<4096x64xf32>, vector<64x1xf32>, vector<4096x1xf32> -> vector<4096x1xf32>
    %get3A_108 = arith.constant 0 : index
    %get3A_109 = arith.constant 0 : index
    %get3A_110 = vector.load %arg14[%get3A_108, %get3A_109] : memref<1x1xf32, #tpu.memory_space<vmem>>, vector<1x1xf32>
    %add3A_111 = vector.broadcast %get3A_110 : vector<1x1xf32> to vector<4096x1xf32>
    %add3A_112 = arith.addf %dot_general3A_107, %add3A_111 : vector<4096x1xf32>
    %logistic3A = arith.negf %add3A_112 : vector<4096x1xf32>
    %logistic3A_113 = math.exp %logistic3A : vector<4096x1xf32>
    %logistic3A_114 = arith.constant 1.000000e+00 : f32
    %logistic3A_115 = vector.broadcast %logistic3A_114 : f32 to vector<4096x1xf32>
    %logistic3A_116 = arith.addf %logistic3A_115, %logistic3A_113 : vector<4096x1xf32>
    %logistic3A_117 = arith.divf %logistic3A_115, %logistic3A_116 : vector<4096x1xf32>
    %swap3A = arith.constant 0 : index
    %swap3A_118 = arith.constant 0 : index
    %swap3A_119 = vector.load %arg15[%swap3A, %swap3A_118] : memref<4096x1xf32, #tpu.memory_space<vmem>>, vector<4096x1xf32>
    tpu.vector_store %arg15[%swap3A, %swap3A_118], %logistic3A_117 {strides = array<i32>} : memref<4096x1xf32, #tpu.memory_space<vmem>>, vector<4096x1xf32>,
    return
  }
}

</mosaic_0001>

<sc_bundles>
// kernel: kernel.5.cloned.1.call-start
scs
__scs_entry_jumppad:
0x0: {  	(pc) =	sbr.rel $0x88, $3  }
0x1: {  	(tag) =	ssettag $0x0;
	lr =	simm.s32 $0x1  }
0x2: {  	[smem:$0x3F94] =	sst lr;
	_ =	strace $0xD0000000  }
0x3: {  	_ = 	snop  }
0x4: {  	_ = 	snop  }
0x5: {  	_ = 	snop  }
0x6: {  	_ = 	snop  }
0x7: {  	_ = 	snop  }
__scs_overlays_trampoline_lowered:
0x8: {  	[smem:$0x3FA3] =	sst s0  }
0x9: {  	[smem:$0x3FA4] =	sst s1  }
0xa: {  	[smem:$0x3FA5] =	sst s2  }
0xb: {  	[smem:$0x3FA6] =	sst s3  }
0xc: {  	[smem:$0x3FA7] =	sst s4  }
0xd: {  	[smem:$0x3FA8] =	sst s5  }
0xe: {  	[smem:$0x3FA9] =	sst s6  }
0xf: {  	[smem:$0x3FAA] =	sst s7  }
0x10: {  	[smem:$0x3FAB] =	sst s8  }
0x11: {  	[smem:$0x3FAC] =	sst s9;
	s0 =	simm.s32 @!p0 $0x0  }
0x12: {  	s1 =	sld [smem:$0x3F92];
	s0 =	simm.s32 @p0 $0x1  }
0x13: {  	[smem:$0x3FAD] =	sst s0;
	s0 =	simm.s32 @!p1 $0x0  }
0x14: {  	s2 =	sld [smem:$0x3F91];
	s0 =	simm.s32 @p1 $0x1  }
0x15: {  	[smem:$0x3FAE] =	sst s0;
	s0 =	simm.s32 @!p2 $0x0  }
0x16: {  	s3 =	sld [smem:$0x3FDB];
	s0 =	simm.s32 @p2 $0x1  }
0x17: {  	s4 =	simm.s32 $0x1BF5;
	[smem:$0x3FB0] =	sst s0  }
0x18: {  	s0 =	sld [smem:$0x3F93];
	_ =	swait.ge [sflag:s4], $0x0  }
0x19: {  	s7 =	sld [smem:$0x3F94]  }
0x1a: {  	s8 =	sadd.s32 $0xFFFFE003, lr  }
0x1b: {  	s9 =	sadd.s32 $0xFFFFFEF7, lr;
	s5 =	simm.s32 $0xFFFFFFFF;
	p2 =	slt.u32 s8, $0xFFFFF086  }
0x1c: {  	p1 =	slt.u32 s9, $0xF7A;
	s5 =	simm.s32 @!p2 $0x0  }
0x1d: {  	s5 =	simm.s32 @p1 $0x1;
	p0 =	seq.s32 s7, s2  }
0x1e: {  	s7 =	smul.u32 @!p0 $0xF7A, s2;
	p2 =	seq.s32 @!p0 s5, $0x0  }
0x1f: {  	s9 =	smul.u32 $0xF7A, s1;
	s8 =	simm.s32 @!p0 $0x1BF5;
	p2 =	por !p2, p0  }
0x20: {  	[sflag:s8] =	ssyncset.s32 @!p0 $0xFFFFF086;
	s6 =	sadd.s32 @!p0 s3, s7;
	s7 =	simm.s32 @!p0 $0x108  }
0x21: {  	s3 =	sadd.s32 s3, s9;
	s6 =	sadd.s32 @!p0 $0x88, s6;
	s7 =	simm.s32 @p2 $0x1082  }
0x22: {  	[simem:s7], [sflag:s8] =	dma.local @!p0 [hbm:s6], $0xF7A  }
0x23: {  	s9 =	sor.u32 $0xD0000000, s2;
	s6 =	simm.s32 $0x108;
	_ =	swait.ge @!p0 [sflag:s8], $0x0  }
0x24: {  	s3 =	sadd.s32 $0x88, s3;
	s6 =	simm.s32 @!p1 $0x1082;
	[sflag:s4] =	ssyncset.s32 $0xFFFFF086  }
0x25: {  	[simem:s6], [sflag:s4] =	dma.local [hbm:s3], $0xF7A  }
0x26: {  	[smem:$0x3F94] =	sst s1;
	(tag) =	ssettag s2;
	_ =	strace s9  }
0x27: {  	s1 =	sld [smem:$0x3FA4]  }
0x28: {  	s2 =	sld [smem:$0x3FA5]  }
0x29: {  	s4 =	sld [smem:$0x3FA7]  }
0x2a: {  	p0 =	seq.s32 s5, $0x0;
	s5 =	sld [smem:$0x3FA8]  }
0x2b: {  	s6 =	sld [smem:$0x3FA9]  }
0x2c: {  	s7 =	sld [smem:$0x3FAA]  }
0x2d: {  	s3 =	simm.s32 $0x108;
	s8 =	sld [smem:$0x3FAB]  }
0x2e: {  	s3 =	simm.s32 @!p0 $0x1082;
	s9 =	sld [smem:$0x3FAC]  }
0x2f: {  	lr =	sadd.s32 s0, s3;
	s0 =	sld [smem:$0x3FA3]  }
0x30: {  	s3 =	sld [smem:$0x3FA6]  }
0x31: {  	[smem:$0x3FAF] =	sst s10  }
0x32: {  	s10 =	sld [smem:$0x3FAD];
	_ =	sdelay $0x3  }
0x33: {  	p0 =	seq.s32 s10, $0x1;
	s10 =	sld [smem:$0x3FAF];
	_ =	sdelay $0x3  }
0x34: {  	[smem:$0x3FAF] =	sst s10  }
0x35: {  	s10 =	sld [smem:$0x3FAE];
	_ =	sdelay $0x3  }
0x36: {  	p1 =	seq.s32 s10, $0x1;
	s10 =	sld [smem:$0x3FAF];
	_ =	sdelay $0x3  }
0x37: {  	[smem:$0x3FAF] =	sst s10  }
0x38: {  	s10 =	sld [smem:$0x3FB0]  }
0x39: {  	_ = 	snop;
	(pc) =	sbr.ind lr, $3  }
0x3a: {  	_ = 	snop  }
0x3b: {  	_ = 	snop  }
0x3c: {  	p2 =	seq.s32 s10, $0x1;
	s10 =	sld [smem:$0x3FAF]  }
0x3d: {  	_ =	shalt  }
0x3e: {  	_ =	shalt  }
0x3f: {  	_ =	shalt  }
0x40: {  	_ =	shalt  }
0x41: {  	_ =	shalt  }
0x42: {  	_ =	shalt  }
0x43: {  	_ =	shalt  }
0x44: {  	_ =	shalt  }
0x45: {  	_ =	shalt  }
0x46: {  	_ =	shalt  }
0x47: {  	_ =	shalt  }
0x48: {  	_ =	shalt  }
0x49: {  	_ =	shalt  }
0x4a: {  	_ =	shalt  }
0x4b: {  	_ =	shalt  }
0x4c: {  	_ =	shalt  }
0x4d: {  	_ =	shalt  }
0x4e: {  	_ =	shalt  }
0x4f: {  	_ =	shalt  }
0x50: {  	_ =	shalt  }
0x51: {  	_ =	shalt  }
0x52: {  	_ =	shalt  }
0x53: {  	_ =	shalt  }
0x54: {  	_ =	shalt  }
0x55: {  	_ =	shalt  }
0x56: {  	_ =	shalt  }
0x57: {  	_ =	shalt  }
0x58: {  	_ =	shalt  }
0x59: {  	_ =	shalt  }
0x5a: {  	_ =	shalt  }
0x5b: {  	_ =	shalt  }
0x5c: {  	_ =	shalt  }
0x5d: {  	_ =	shalt  }
0x5e: {  	_ =	shalt  }
0x5f: {  	_ =	shalt  }
0x60: {  	_ =	shalt  }
0x61: {  	_ =	shalt  }
0x62: {  	_ =	shalt  }
0x63: {  	_ =	shalt  }
0x64: {  	_ =	shalt  }
0x65: {  	_ =	shalt  }
0x66: {  	_ =	shalt  }
0x67: {  	_ =	shalt  }
0x68: {  	_ =	shalt  }
0x69: {  	_ =	shalt  }
0x6a: {  	_ =	shalt  }
0x6b: {  	_ =	shalt  }
0x6c: {  	_ =	shalt  }
0x6d: {  	_ =	shalt  }
0x6e: {  	_ =	shalt  }
0x6f: {  	_ =	shalt  }
0x70: {  	_ =	shalt  }
0x71: {  	_ =	shalt  }
0x72: {  	_ =	shalt  }
0x73: {  	_ =	shalt  }
0x74: {  	_ =	shalt  }
0x75: {  	_ =	shalt  }
0x76: {  	_ =	shalt  }
0x77: {  	_ =	shalt  }
0x78: {  	_ =	shalt  }
0x79: {  	_ =	shalt  }
0x7a: {  	_ =	shalt  }
0x7b: {  	_ =	shalt  }
0x7c: {  	_ =	shalt  }
0x7d: {  	_ =	shalt  }
0x7e: {  	_ =	shalt  }
0x7f: {  	_ =	shalt  }
0x80: {  	_ =	shalt  }
0x81: {  	_ =	shalt  }
0x82: {  	_ =	shalt  }
0x83: {  	_ =	shalt  }
0x84: {  	_ =	shalt  }
0x85: {  	_ =	shalt  }
0x86: {  	_ =	shalt  }
0x87: {  	_ =	shalt  }
.Lfunc_end0:
.L_simem_size_0:
called_computation_lowered:
.L_overlay_start_0:
0x88: {  	s2 =	sld [smem:$0x3FD9]  }
0x89: {  	s3 =	sld [smem:$0x3FFE];
	_ =	sdelay $0x1  }
0x8a: {  	s1 =	srdreg.scid  }
0x8b: {  	s0 =	sand.u32 $0x1, s1  }
0x8c: {  	s17 =	sshll.u32 s0, $0xA;
	s2 =	sadd.s32 s3, s2  }
0x8d: {  	s2 =	sadd.s32 s2, s17  }
0x8e: {  	[smem:$0x3FBB] =	sst s2  }
0x8f: {  	_ = 	snop  }
0x90: {  	s2 =	sld [smem:$0x3FD0];
	(tm) =	ssettm $0x1  }
0x91: {  	s18 =	sld [smem:$0x3FFB];
	_ =	sdelay $0x3  }
0x92: {  	_ =	strace s18  }
0x93: {  	s3 =	sld [smem:$0x3FFC];
	_ =	sdelay $0x3  }
0x94: {  	_ =	strace s3  }
0x95: {  	s3 =	sld [smem:$0x3FFD];
	_ =	sdelay $0x3  }
0x96: {  	_ =	strace s3  }
0x97: {  	_ =	strace $0x8FFFFFFF  }
0x98: {  	s19 =	sld [smem:$0x3FDB];
	_ =	sdelay $0x1  }
0x99: {  	s4 =	simm.s32 $_scs_section_size  }
0x9a: {  	s5 =	simm.s32 $_size__tile_overlayer_lowered;
	s6 =	simm.s32 $_tile_overlayer_lowered  }
0x9b: {  	s22 =	simm.s32 $0x1BFF;
	s21 =	sshll.u32 s6, $0x1;
	s3 =	sadd.s32 s4, s19  }
0x9c: {  	s7 =	simm.s32 $0x0;
	s20 =	sshll.u32 s5, $0x1;
	s5 =	sadd.s32 s21, s3  }
0x9d: {  	[timem:s7], [sflag:s22] =	dma.local [hbm:s5], s20  }
0x9e: {  	_ =	swait.ge [sflag:s22], s20  }
0x9f: {  	s4 =	ssub.s32 $0x0, s20;
	[sflag:s22] =	ssyncset.done $0x0  }
0xa0: {  	[sflag:s22] =	ssyncadd.s32 s4;
	_ =	sdelay $0x1  }
0xa1: {  	s23 =	simm.s32 $0x1B8B  }
0xa2: {  	_ =	swait.ge [sflag:s23], $0x1  }
0xa3: {  	[sflag:s23] =	ssyncset.done $0x0  }
0xa4: {  	s25 =	simm.s32 $0x1B8E;
	s24 =	sld [smem:$0x3FFE];
	[sflag:s23] =	ssyncadd.s32 $0xFFFFFFFF  }
0xa5: {  	s26 =	simm.s32 $execute0_lowered;
	[smem:$0x3FD2] =	sst s25  }
0xa6: {  	s5 =	sshll.u32 s26, $0x1;
	_ =	strace $0x80000046;
	[dreg:$0x1] =	wrdreg $0xFFFFFFFF  }
0xa7: {  	s28 =	simm.s32 $_size_execute0_lowered;
	s3 =	sadd.s32 s3, s5;
	[dreg:$0x0] =	wrdreg $0x0  }
0xa8: {  	s5 =	sshll.u32 s28, $0x1;
	[dreg:$0x2] =	wrdreg s3  }
0xa9: {  	[dreg:$0x3] =	wrdreg s5  }
0xaa: {  	[dreg:$0x4] =	wrdreg $0xC0  }
0xab: {  	_ =	task [dreg:s7], $0x5FFFF  }
0xac: {  	[dreg:$0x1] =	wrdreg $0xFFFFFFFF  }
0xad: {  	[dreg:$0x0] =	wrdreg $0x60  }
0xae: {  	[dreg:$0x2] =	wrdreg s24  }
0xaf: {  	[dreg:$0x3] =	wrdreg s2  }
0xb0: {  	[dreg:$0x4] =	wrdreg $0x9  }
0xb1: {  	_ =	task.clear_ibuf [dreg:s7], $0x5FFFF;
	_ =	strace $0x90000046  }
0xb2: {  	s29 =	simm.s32 $0x9;
	_ =	strace $0x80000048  }
0xb3: {  	_ =	swait.ge [sflag:s29], $0x1  }
0xb4: {  	[sflag:s29] =	ssyncadd.s32 $0xFFFFFFFF  }
0xb5: {  	_ =	strace $0x90000048  }
0xb6: {  	_ =	sfence  }
0xb7: {  	s30 =	sld [smem:$0x0];
	_ =	sdelay $0x2  }
0xb8: {  	s31 =	sshll.u32 s1, $0xD;
	s1 =	sshrl.u32 s1, $0x2  }
0xb9: {  	s3 =	sand.u32 $0x4000, s31;
	s1 =	sadd.s32 s1, s30  }
0xba: {  	s0 =	sor.u32 s3, s0;
	s1 =	sshll.u32 s1, $0x11  }
0xbb: {  	s0 =	sor.u32 s1, s0  }
0xbc: {  	s0 =	sadd.s32 $0x8F2B, s0  }
0xbd: {  	[sflag:s0] =	ssyncadd.remote.s32 $0x1  }
0xbe: {  	_ =	sfence.sel $0xFFFF  }
0xbf: {  	[dreg:$0x0] =	wrdreg $0xFFFFFFFF;
	(pc) =	sbr.abs _section_cstart, $3  }
0xc0: {  	[dreg:$0x1] =	wrdreg $0xFFFFFFFF  }
0xc1: {  	_ =	task.clear_ibuf [dreg:s7], $0x2FFFF;
	_ =	strace $0x9FFFFFFF  }
0xc2: {  	(tm) =	ssettm $0x7FFFFFFF  }
0xc3: {  	_ =	shalt  }
tec
execute0_lowered:
.L_overlay_start_1:
0x0: {  	(tag) =	ssettag $0x1  }
0x1: {  	s0 =	rddreg [dreg:$0x0]  }
0x2: {  	s1 =	srdreg.scid;
	s2 =	stileid.u32  }
0x3: {  	s3 =	simm.s32 $0x0;
	s8 =	simm.s32 $0x2;
	s10 =	simm.s32 $0x80  }
0x4: {  	s20 =	simm.s32 $0xA200;
	s21 =	simm.s32 $0x900;
	s22 =	simm.s32 $0xAA00  }
0x5: {  	s23 =	simm.s32 $0x980;
	s24 =	simm.s32 $0xB200;
	s25 =	simm.s32 $0xA00  }
0x6: {  	s28 =	simm.s32 $0xA80;
	s29 =	simm.s32 $0xC200;
	s30 =	simm.s32 $0xB00  }
0x7: {  	s31 =	simm.s32 $0xCA00;
	s9 =	simm.s32 $0xDA00;
	s11 =	simm.s32 $0xC80  }
0x8: {  	s12 =	simm.s32 $0xE200;
	s13 =	simm.s32 $0x1;
	s14 =	simm.s32 $0xEA00  }
0x9: {  	s15 =	simm.s32 $0x0;
	s1 =	sand.u32 $0x1, s1;
	s2 =	sshll.u32 s2, $0x1  }
0xa: {  	[smem:$0x7FF] =	sst s3;
	s2 =	sor.u32 s1, s2;
	s1 =	ssub.s32 $0x2, s1  }
0xb: {  	_ =	strace $0x80000047;
	s4 =	smul.u32 $0x1A0, s2;
	s26 =	sshrl.u32 s1, $0x1  }
0xc: {  	s2 =	sshll.u32 s2, $0x8;
	s1 =	ssub.s32 s1, s26;
	s26 =	simm.s32 $0xBA00  }
0xd: {  	s5 =	sadd.s32 s4, s0;
	s4 =	sadd.s32 $0x27AE400, s0;
	s0 =	sadd.s32 s2, s0  }
0xe: {  	s7 =	smax.u32 s1, $0x1;
	s1 =	simm.s32 $0xB80;
	s2 =	simm.s32 $0xC00  }
0xf: {  	s5 =	sadd.s32 $0x2000, s5;
	s6 =	sadd.s32 $0x5400, s0;
	s0 =	simm.s32 $0xD200  }
.LBB2_1:
0x10: {  	[tilespmem:s3], [sflag:$0x2] =	stream.linear.gather [hbm4b:s5+s3], $0xD00, $0x38;
	[tilespmem:$0xF200] =	vst v63  }
0x11: {  	_ =	swait.ge [sflag:s8], $0xD00  }
0x12: {  	[sflag:s8] =	ssyncset.done $0x0  }
0x13: {  	[sflag:s8] =	ssyncadd.s32 $0xFFFFF300  }
0x14: {  	s17 =	simm.s32 $0xD00;
	s16 =	rddreg [dreg:$0x1]  }
0x15: {  	[tilespmem:s17], [sflag:$0x2] =	stream.linear.gather [hbm4b:s16+s3], $0xD00, $0x38;
	[tilespmem:$0xF200] =	vst v63  }
0x16: {  	_ =	swait.ge [sflag:s8], $0xD00  }
0x17: {  	[sflag:s8] =	ssyncset.done $0x0  }
0x18: {  	s16 =	simm.s32 $0x0;
	[sflag:s8] =	ssyncadd.s32 $0xFFFFF300  }
0x19: {  	s17 =	simm.s32 $0x40;
	v0 =	vld [tilespmem:s16+$0xD00]  }
.LBB2_2:
0x1a: {  	p0 =	sne.s32 s17, $0x33C0;
	v1 =	vld [tilespmem:s16+$0x0];
	_ =	sdelay $0x1  }
.Ltmp0:
0x1b: {  	(pc) =	sbr.rel @p0 .LBB2_2-.Ltmp0, $3  }
0x1c: {  	_ =	sdelay $0x1  }
0x1d: {  	s18 =	sshra.s32 s17, $0x2;
	v1 =	vadd.s32 v1, v0  }
0x1e: {  	s17 =	sadd.s32 $0x40, s17;
	v0 =	vld [tilespmem:s18+$0xD00];
	[tilespmem:s16+$0x0] =	vst v1;
	s16 =	smov.u32 s18  }
0x1f: {  	v1 =	vld [tilespmem:s16+$0x0];
	_ =	sdelay $0x4  }
0x20: {  	v0 =	vadd.s32 v1, v0  }
0x21: {  	s17 =	simm.s32 $0x1A00;
	[tilespmem:s16+$0x0] =	vst v0;
	s16 =	simm.s32 $0x0  }
0x22: {  	[tilespmem:s17], [sflag:$0x1] =	stream.indirect.gather [hbm4b:s4+s10], $0x10, s16, s10, $0xb8;
	[tilespmem:$0xF200] =	vst v63  }
0x23: {  	s18 =	simm.s32 $0x2200  }
0x24: {  	[tilespmem:s18], [sflag:$0x1] =	stream.indirect.gather [hbm4b:s4+s10], $0x10, s10, s10, $0xb8;
	[tilespmem:$0xF200] =	vst v63  }
0x25: {  	s19 =	simm.s32 $0x100;
	s18 =	simm.s32 $0x2A00  }
0x26: {  	[tilespmem:s18], [sflag:$0x1] =	stream.indirect.gather [hbm4b:s4+s10], $0x10, s19, s10, $0xb8;
	[tilespmem:$0xF200] =	vst v63  }
0x27: {  	s18 =	simm.s32 $0x180;
	s19 =	simm.s32 $0x3200  }
0x28: {  	[tilespmem:s19], [sflag:$0x1] =	stream.indirect.gather [hbm4b:s4+s10], $0x10, s18, s10, $0xb8;
	[tilespmem:$0xF200] =	vst v63  }
0x29: {  	s18 =	simm.s32 $0x200;
	s19 =	simm.s32 $0x3A00  }
0x2a: {  	[tilespmem:s19], [sflag:$0x1] =	stream.indirect.gather [hbm4b:s4+s10], $0x10, s18, s10, $0xb8;
	[tilespmem:$0xF200] =	vst v63  }
0x2b: {  	s18 =	simm.s32 $0x280;
	s19 =	simm.s32 $0x4200  }
0x2c: {  	[tilespmem:s19], [sflag:$0x1] =	stream.indirect.gather [hbm4b:s4+s10], $0x10, s18, s10, $0xb8;
	[tilespmem:$0xF200] =	vst v63  }
0x2d: {  	s18 =	simm.s32 $0x300;
	s19 =	simm.s32 $0x4A00  }
0x2e: {  	[tilespmem:s19], [sflag:$0x1] =	stream.indirect.gather [hbm4b:s4+s10], $0x10, s18, s10, $0xb8;
	[tilespmem:$0xF200] =	vst v63  }
0x2f: {  	s18 =	simm.s32 $0x380;
	s19 =	simm.s32 $0x5200  }
0x30: {  	[tilespmem:s19], [sflag:$0x1] =	stream.indirect.gather [hbm4b:s4+s10], $0x10, s18, s10, $0xb8;
	[tilespmem:$0xF200] =	vst v63  }
0x31: {  	s18 =	simm.s32 $0x400;
	s19 =	simm.s32 $0x5A00  }
0x32: {  	[tilespmem:s19], [sflag:$0x1] =	stream.indirect.gather [hbm4b:s4+s10], $0x10, s18, s10, $0xb8;
	[tilespmem:$0xF200] =	vst v63  }
0x33: {  	s18 =	simm.s32 $0x480;
	s19 =	simm.s32 $0x6200  }
0x34: {  	[tilespmem:s19], [sflag:$0x1] =	stream.indirect.gather [hbm4b:s4+s10], $0x10, s18, s10, $0xb8;
	[tilespmem:$0xF200] =	vst v63  }
0x35: {  	s18 =	simm.s32 $0x500;
	s19 =	simm.s32 $0x6A00  }
0x36: {  	[tilespmem:s19], [sflag:$0x1] =	stream.indirect.gather [hbm4b:s4+s10], $0x10, s18, s10, $0xb8;
	[tilespmem:$0xF200] =	vst v63  }
0x37: {  	s18 =	simm.s32 $0x580;
	s19 =	simm.s32 $0x7200  }
0x38: {  	[tilespmem:s19], [sflag:$0x1] =	stream.indirect.gather [hbm4b:s4+s10], $0x10, s18, s10, $0xb8;
	[tilespmem:$0xF200] =	vst v63  }
0x39: {  	s18 =	simm.s32 $0x600;
	s19 =	simm.s32 $0x7A00  }
0x3a: {  	[tilespmem:s19], [sflag:$0x1] =	stream.indirect.gather [hbm4b:s4+s10], $0x10, s18, s10, $0xb8;
	[tilespmem:$0xF200] =	vst v63  }
0x3b: {  	s18 =	simm.s32 $0x680;
	s19 =	simm.s32 $0x8200  }
0x3c: {  	[tilespmem:s19], [sflag:$0x1] =	stream.indirect.gather [hbm4b:s4+s10], $0x10, s18, s10, $0xb8;
	[tilespmem:$0xF200] =	vst v63  }
0x3d: {  	s18 =	simm.s32 $0x700;
	s19 =	simm.s32 $0x8A00  }
0x3e: {  	[tilespmem:s19], [sflag:$0x1] =	stream.indirect.gather [hbm4b:s4+s10], $0x10, s18, s10, $0xb8;
	[tilespmem:$0xF200] =	vst v63  }
0x3f: {  	s18 =	simm.s32 $0x780;
	s19 =	simm.s32 $0x9200  }
0x40: {  	[tilespmem:s19], [sflag:$0x1] =	stream.indirect.gather [hbm4b:s4+s10], $0x10, s18, s10, $0xb8;
	[tilespmem:$0xF200] =	vst v63  }
0x41: {  	s18 =	simm.s32 $0x800;
	s19 =	simm.s32 $0x9A00  }
0x42: {  	[tilespmem:s19], [sflag:$0x1] =	stream.indirect.gather [hbm4b:s4+s10], $0x10, s18, s10, $0xb8;
	[tilespmem:$0xF200] =	vst v63  }
0x43: {  	s19 =	simm.s32 $0x880  }
0x44: {  	[tilespmem:s20], [sflag:$0x1] =	stream.indirect.gather [hbm4b:s4+s10], $0x10, s19, s10, $0xb8;
	[tilespmem:$0xF200] =	vst v63  }
0x45: {  	_ = 	snop  }
0x46: {  	[tilespmem:s22], [sflag:$0x1] =	stream.indirect.gather [hbm4b:s4+s10], $0x10, s21, s10, $0xb8;
	[tilespmem:$0xF200] =	vst v63  }
0x47: {  	_ = 	snop  }
0x48: {  	[tilespmem:s24], [sflag:$0x1] =	stream.indirect.gather [hbm4b:s4+s10], $0x10, s23, s10, $0xb8;
	[tilespmem:$0xF200] =	vst v63  }
0x49: {  	_ = 	snop  }
0x4a: {  	[tilespmem:s26], [sflag:$0x1] =	stream.indirect.gather [hbm4b:s4+s10], $0x10, s25, s10, $0xb8;
	[tilespmem:$0xF200] =	vst v63  }
0x4b: {  	_ = 	snop  }
0x4c: {  	[tilespmem:s29], [sflag:$0x1] =	stream.indirect.gather [hbm4b:s4+s10], $0x10, s28, s10, $0xb8;
	[tilespmem:$0xF200] =	vst v63  }
0x4d: {  	_ = 	snop  }
0x4e: {  	[tilespmem:s31], [sflag:$0x1] =	stream.indirect.gather [hbm4b:s4+s10], $0x10, s30, s10, $0xb8;
	[tilespmem:$0xF200] =	vst v63  }
0x4f: {  	_ = 	snop  }
0x50: {  	[tilespmem:s0], [sflag:$0x1] =	stream.indirect.gather [hbm4b:s4+s10], $0x10, s1, s10, $0xb8;
	[tilespmem:$0xF200] =	vst v63  }
0x51: {  	_ = 	snop  }
0x52: {  	[tilespmem:s9], [sflag:$0x1] =	stream.indirect.gather [hbm4b:s4+s10], $0x10, s2, s10, $0xb8;
	[tilespmem:$0xF200] =	vst v63  }
0x53: {  	_ = 	snop  }
0x54: {  	[tilespmem:s12], [sflag:$0x1] =	stream.indirect.gather [hbm4b:s4+s10], $0x10, s11, s10, $0xb8;
	[tilespmem:$0xF200] =	vst v63  }
0x55: {  	_ =	swait.ge [sflag:s13], $0x800  }
0x56: {  	[sflag:s13] =	ssyncset.done $0x0  }
0x57: {  	[sflag:s13] =	ssyncadd.s32 $0xFFFFF800  }
0x58: {  	_ =	swait.ge [sflag:s13], $0x800  }
0x59: {  	[sflag:s13] =	ssyncset.done $0x0  }
0x5a: {  	[sflag:s13] =	ssyncadd.s32 $0xFFFFF800  }
0x5b: {  	_ =	swait.ge [sflag:s13], $0x800  }
0x5c: {  	[sflag:s13] =	ssyncset.done $0x0  }
0x5d: {  	[sflag:s13] =	ssyncadd.s32 $0xFFFFF800  }
0x5e: {  	_ =	swait.ge [sflag:s13], $0x800  }
0x5f: {  	[sflag:s13] =	ssyncset.done $0x0  }
0x60: {  	[sflag:s13] =	ssyncadd.s32 $0xFFFFF800  }
0x61: {  	_ =	swait.ge [sflag:s13], $0x800  }
0x62: {  	[sflag:s13] =	ssyncset.done $0x0  }
0x63: {  	[sflag:s13] =	ssyncadd.s32 $0xFFFFF800  }
0x64: {  	_ =	swait.ge [sflag:s13], $0x800  }
0x65: {  	[sflag:s13] =	ssyncset.done $0x0  }
0x66: {  	[sflag:s13] =	ssyncadd.s32 $0xFFFFF800  }
0x67: {  	_ =	swait.ge [sflag:s13], $0x800  }
0x68: {  	[sflag:s13] =	ssyncset.done $0x0  }
0x69: {  	[sflag:s13] =	ssyncadd.s32 $0xFFFFF800  }
0x6a: {  	_ =	swait.ge [sflag:s13], $0x800  }
0x6b: {  	[sflag:s13] =	ssyncset.done $0x0  }
0x6c: {  	[sflag:s13] =	ssyncadd.s32 $0xFFFFF800  }
0x6d: {  	_ =	swait.ge [sflag:s13], $0x800  }
0x6e: {  	[sflag:s13] =	ssyncset.done $0x0  }
0x6f: {  	[sflag:s13] =	ssyncadd.s32 $0xFFFFF800  }
0x70: {  	_ =	swait.ge [sflag:s13], $0x800  }
0x71: {  	[sflag:s13] =	ssyncset.done $0x0  }
0x72: {  	[sflag:s13] =	ssyncadd.s32 $0xFFFFF800  }
0x73: {  	_ =	swait.ge [sflag:s13], $0x800  }
0x74: {  	[sflag:s13] =	ssyncset.done $0x0  }
0x75: {  	[sflag:s13] =	ssyncadd.s32 $0xFFFFF800  }
0x76: {  	_ =	swait.ge [sflag:s13], $0x800  }
0x77: {  	[sflag:s13] =	ssyncset.done $0x0  }
0x78: {  	[sflag:s13] =	ssyncadd.s32 $0xFFFFF800  }
0x79: {  	_ =	swait.ge [sflag:s13], $0x800  }
0x7a: {  	[sflag:s13] =	ssyncset.done $0x0  }
0x7b: {  	[sflag:s13] =	ssyncadd.s32 $0xFFFFF800  }
0x7c: {  	_ =	swait.ge [sflag:s13], $0x800  }
0x7d: {  	[sflag:s13] =	ssyncset.done $0x0  }
0x7e: {  	[sflag:s13] =	ssyncadd.s32 $0xFFFFF800  }
0x7f: {  	_ =	swait.ge [sflag:s13], $0x800  }
0x80: {  	[sflag:s13] =	ssyncset.done $0x0  }
0x81: {  	[sflag:s13] =	ssyncadd.s32 $0xFFFFF800  }
0x82: {  	_ =	swait.ge [sflag:s13], $0x800  }
0x83: {  	[sflag:s13] =	ssyncset.done $0x0  }
0x84: {  	[sflag:s13] =	ssyncadd.s32 $0xFFFFF800  }
0x85: {  	_ =	swait.ge [sflag:s13], $0x800  }
0x86: {  	[sflag:s13] =	ssyncset.done $0x0  }
0x87: {  	[sflag:s13] =	ssyncadd.s32 $0xFFFFF800  }
0x88: {  	_ =	swait.ge [sflag:s13], $0x800  }
0x89: {  	[sflag:s13] =	ssyncset.done $0x0  }
0x8a: {  	[sflag:s13] =	ssyncadd.s32 $0xFFFFF800  }
0x8b: {  	_ =	swait.ge [sflag:s13], $0x800  }
0x8c: {  	[sflag:s13] =	ssyncset.done $0x0  }
0x8d: {  	[sflag:s13] =	ssyncadd.s32 $0xFFFFF800  }
0x8e: {  	_ =	swait.ge [sflag:s13], $0x800  }
0x8f: {  	[sflag:s13] =	ssyncset.done $0x0  }
0x90: {  	[sflag:s13] =	ssyncadd.s32 $0xFFFFF800  }
0x91: {  	_ =	swait.ge [sflag:s13], $0x800  }
0x92: {  	[sflag:s13] =	ssyncset.done $0x0  }
0x93: {  	[sflag:s13] =	ssyncadd.s32 $0xFFFFF800  }
0x94: {  	_ =	swait.ge [sflag:s13], $0x800  }
0x95: {  	[sflag:s13] =	ssyncset.done $0x0  }
0x96: {  	[sflag:s13] =	ssyncadd.s32 $0xFFFFF800  }
0x97: {  	_ =	swait.ge [sflag:s13], $0x800  }
0x98: {  	[sflag:s13] =	ssyncset.done $0x0  }
0x99: {  	[sflag:s13] =	ssyncadd.s32 $0xFFFFF800  }
0x9a: {  	_ =	swait.ge [sflag:s13], $0x800  }
0x9b: {  	[sflag:s13] =	ssyncset.done $0x0  }
0x9c: {  	[sflag:s13] =	ssyncadd.s32 $0xFFFFF800  }
0x9d: {  	_ =	swait.ge [sflag:s13], $0x800  }
0x9e: {  	[sflag:s13] =	ssyncset.done $0x0  }
0x9f: {  	[sflag:s13] =	ssyncadd.s32 $0xFFFFF800  }
0xa0: {  	_ =	swait.ge [sflag:s13], $0x800  }
0xa1: {  	[sflag:s13] =	ssyncset.done $0x0  }
0xa2: {  	s17 =	simm.s32 $0x1AD0;
	[sflag:s13] =	ssyncadd.s32 $0xFFFFF800  }
0xa3: {  	s18 =	simm.s32 $0x40;
	v0 =	vld [tilespmem:s17+$0xFFFFFF30]  }
.LBB2_4:
0xa4: {  	p0 =	sne.s32 s18, $0x1FC0  }
0xa5: {  	v1 =	vld [tilespmem:s17+$0xFFFFFF40];
	_ =	sdelay $0x1  }
0xa6: {  	v2 =	vld [tilespmem:s17+$0xFFFFFF50]  }
0xa7: {  	v3 =	vadd.f32 $0.0e+00, v0  }
0xa8: {  	v4 =	vld [tilespmem:s17+$0xFFFFFF60]  }
0xa9: {  	v0 =	vmul.f32 v0, v0;
	v3 =	vadd.f32 v1, v3;
	v1 =	vmul.f32 v1, v1  }
0xaa: {  	v5 =	vld [tilespmem:s17+$0xFFFFFF70]  }
0xab: {  	v0 =	vadd.f32 v1, v0;
	v1 =	vadd.f32 v2, v3;
	v2 =	vmul.f32 v2, v2  }
0xac: {  	v3 =	vld [tilespmem:s17+$0xFFFFFF80]  }
0xad: {  	v0 =	vadd.f32 v2, v0;
	v1 =	vadd.f32 v4, v1;
	v2 =	vmul.f32 v4, v4  }
0xae: {  	v4 =	vld [tilespmem:s17+$0xFFFFFF90]  }
0xaf: {  	v0 =	vadd.f32 v2, v0;
	v1 =	vadd.f32 v5, v1;
	v2 =	vmul.f32 v5, v5  }
0xb0: {  	v5 =	vld [tilespmem:s17+$0xFFFFFFA0]  }
0xb1: {  	v0 =	vadd.f32 v2, v0;
	v1 =	vadd.f32 v3, v1;
	v2 =	vmul.f32 v3, v3  }
0xb2: {  	v3 =	vld [tilespmem:s17+$0xFFFFFFB0]  }
0xb3: {  	v0 =	vadd.f32 v2, v0;
	v1 =	vadd.f32 v4, v1;
	v2 =	vmul.f32 v4, v4  }
0xb4: {  	v4 =	vld [tilespmem:s17+$0xFFFFFFC0]  }
0xb5: {  	v0 =	vadd.f32 v2, v0;
	v1 =	vadd.f32 v5, v1;
	v2 =	vmul.f32 v5, v5  }
0xb6: {  	v5 =	vld [tilespmem:s17+$0xFFFFFFD0]  }
0xb7: {  	v0 =	vadd.f32 v2, v0;
	v1 =	vadd.f32 v3, v1;
	v2 =	vmul.f32 v3, v3  }
0xb8: {  	v3 =	vld [tilespmem:s17+$0xFFFFFFE0]  }
0xb9: {  	v0 =	vadd.f32 v2, v0;
	v1 =	vadd.f32 v4, v1;
	v2 =	vmul.f32 v4, v4  }
0xba: {  	v4 =	vld [tilespmem:s17+$0xFFFFFFF0]  }
0xbb: {  	v0 =	vadd.f32 v2, v0;
	v1 =	vadd.f32 v5, v1;
	v2 =	vmul.f32 v5, v5  }
0xbc: {  	v5 =	vld [tilespmem:s17+$0x0]  }
0xbd: {  	v0 =	vadd.f32 v2, v0;
	v1 =	vadd.f32 v3, v1;
	v2 =	vmul.f32 v3, v3  }
0xbe: {  	v3 =	vld [tilespmem:s17+$0x10]  }
0xbf: {  	v0 =	vadd.f32 v2, v0;
	v1 =	vadd.f32 v4, v1;
	v2 =	vmul.f32 v4, v4  }
0xc0: {  	v4 =	vld [tilespmem:s17+$0x20]  }
0xc1: {  	v0 =	vadd.f32 v2, v0;
	v1 =	vadd.f32 v5, v1;
	v2 =	vmul.f32 v5, v5  }
0xc2: {  	v5 =	vld [tilespmem:s17+$0x30]  }
0xc3: {  	v0 =	vadd.f32 v2, v0;
	v1 =	vadd.f32 v3, v1;
	v2 =	vmul.f32 v3, v3  }
0xc4: {  	v3 =	vld [tilespmem:s17+$0x40]  }
0xc5: {  	v0 =	vadd.f32 v2, v0;
	v1 =	vadd.f32 v4, v1;
	v2 =	vmul.f32 v4, v4  }
0xc6: {  	v4 =	vld [tilespmem:s17+$0x50]  }
0xc7: {  	v0 =	vadd.f32 v2, v0;
	v1 =	vadd.f32 v5, v1;
	v2 =	vmul.f32 v5, v5  }
0xc8: {  	v5 =	vld [tilespmem:s17+$0x60]  }
0xc9: {  	v0 =	vadd.f32 v2, v0;
	v1 =	vadd.f32 v3, v1;
	v2 =	vmul.f32 v3, v3  }
0xca: {  	v3 =	vld [tilespmem:s17+$0x70]  }
0xcb: {  	v0 =	vadd.f32 v2, v0;
	v1 =	vadd.f32 v4, v1;
	v2 =	vmul.f32 v4, v4  }
0xcc: {  	v4 =	vld [tilespmem:s17+$0x80]  }
0xcd: {  	v0 =	vadd.f32 v2, v0;
	v1 =	vadd.f32 v5, v1;
	v2 =	vmul.f32 v5, v5  }
0xce: {  	v5 =	vld [tilespmem:s17+$0x90]  }
0xcf: {  	v0 =	vadd.f32 v2, v0;
	v1 =	vadd.f32 v3, v1;
	v2 =	vmul.f32 v3, v3  }
0xd0: {  	v3 =	vld [tilespmem:s17+$0xA0]  }
0xd1: {  	v0 =	vadd.f32 v2, v0;
	v1 =	vadd.f32 v4, v1;
	v2 =	vmul.f32 v4, v4  }
0xd2: {  	v4 =	vld [tilespmem:s17+$0xB0]  }
0xd3: {  	v0 =	vadd.f32 v2, v0;
	v1 =	vadd.f32 v5, v1;
	v2 =	vmul.f32 v5, v5  }
0xd4: {  	v5 =	vld [tilespmem:s17+$0xC0]  }
0xd5: {  	v0 =	vadd.f32 v2, v0;
	v1 =	vadd.f32 v3, v1;
	v2 =	vmul.f32 v3, v3;
	_ =	sdelay $0x1  }
0xd6: {  	v0 =	vadd.f32 v2, v0;
	v1 =	vadd.f32 v4, v1;
	v2 =	vmul.f32 v4, v4;
	_ =	sdelay $0x1  }
0xd7: {  	v0 =	vadd.f32 v2, v0;
	v1 =	vadd.f32 v5, v1;
	v2 =	vmul.f32 v5, v5;
	_ =	sdelay $0x1  }
0xd8: {  	v0 =	vadd.f32 v2, v0;
	v1 =	vmul.f32 v1, v1;
	_ =	sdelay $0x1  }
0xd9: {  	v0 =	vsub.f32 v1, v0  }
.Ltmp1:
0xda: {  	(pc) =	sbr.rel @p0 .LBB2_4-.Ltmp1, $4  }
0xdb: {  	v0 =	vmul.f32 $5.000000000e-01, v0  }
0xdc: {  	s19 =	sshra.s32 s16, $0x2;
	s16 =	smov.u32 s18  }
0xdd: {  	s17 =	sadd.s32 $0x1A0, s17;
	[tilespmem:s19+$0xEA00] =	vst v0  }
0xde: {  	s18 =	sadd.s32 $0x40, s18;
	v0 =	vld [tilespmem:s17+$0xFFFFFF30]  }
0xdf: {  	_ = 	snop  }
0xe0: {  	v1 =	vld [tilespmem:s17+$0xFFFFFF40];
	_ =	sdelay $0x1  }
0xe1: {  	v2 =	vld [tilespmem:s17+$0xFFFFFF50]  }
0xe2: {  	v3 =	vadd.f32 $0.0e+00, v0  }
0xe3: {  	v4 =	vld [tilespmem:s17+$0xFFFFFF60]  }
0xe4: {  	v18 =	vmul.f32 v0, v0;
	v3 =	vadd.f32 v1, v3;
	v1 =	vmul.f32 v1, v1  }
0xe5: {  	v5 =	vld [tilespmem:s17+$0xFFFFFF70]  }
0xe6: {  	v0 =	vadd.f32 v1, v18;
	v19 =	vadd.f32 v2, v3;
	v2 =	vmul.f32 v2, v2  }
0xe7: {  	v20 =	vld [tilespmem:s17+$0xFFFFFF80]  }
0xe8: {  	v21 =	vmul.f32 v4, v4;
	v0 =	vadd.f32 v2, v0;
	v1 =	vadd.f32 v4, v19  }
0xe9: {  	v22 =	vld [tilespmem:s17+$0xFFFFFF90]  }
0xea: {  	v23 =	vmul.f32 v5, v5;
	v0 =	vadd.f32 v21, v0;
	v1 =	vadd.f32 v5, v1  }
0xeb: {  	v24 =	vld [tilespmem:s17+$0xFFFFFFA0]  }
0xec: {  	v25 =	vmul.f32 v20, v20;
	v0 =	vadd.f32 v23, v0;
	v1 =	vadd.f32 v20, v1  }
0xed: {  	v26 =	vld [tilespmem:s17+$0xFFFFFFB0]  }
0xee: {  	v27 =	vmul.f32 v22, v22;
	v0 =	vadd.f32 v25, v0;
	v1 =	vadd.f32 v22, v1  }
0xef: {  	v28 =	vld [tilespmem:s17+$0xFFFFFFC0]  }
0xf0: {  	v29 =	vmul.f32 v24, v24;
	v0 =	vadd.f32 v27, v0;
	v1 =	vadd.f32 v24, v1  }
0xf1: {  	v30 =	vld [tilespmem:s17+$0xFFFFFFD0]  }
0xf2: {  	v31 =	vmul.f32 v26, v26;
	v0 =	vadd.f32 v29, v0;
	v1 =	vadd.f32 v26, v1  }
0xf3: {  	v32 =	vld [tilespmem:s17+$0xFFFFFFE0]  }
0xf4: {  	v33 =	vmul.f32 v28, v28;
	v0 =	vadd.f32 v31, v0;
	v1 =	vadd.f32 v28, v1  }
0xf5: {  	v34 =	vld [tilespmem:s17+$0xFFFFFFF0]  }
0xf6: {  	v35 =	vmul.f32 v30, v30;
	v0 =	vadd.f32 v33, v0;
	v1 =	vadd.f32 v30, v1  }
0xf7: {  	v36 =	vld [tilespmem:s17+$0x0]  }
0xf8: {  	v37 =	vmul.f32 v32, v32;
	v0 =	vadd.f32 v35, v0;
	v1 =	vadd.f32 v32, v1  }
0xf9: {  	v38 =	vld [tilespmem:s17+$0x10]  }
0xfa: {  	v39 =	vmul.f32 v34, v34;
	v0 =	vadd.f32 v37, v0;
	v1 =	vadd.f32 v34, v1  }
0xfb: {  	v40 =	vld [tilespmem:s17+$0x20]  }
0xfc: {  	v41 =	vmul.f32 v36, v36;
	v0 =	vadd.f32 v39, v0;
	v1 =	vadd.f32 v36, v1  }
0xfd: {  	v42 =	vld [tilespmem:s17+$0x30]  }
0xfe: {  	v43 =	vmul.f32 v38, v38;
	v0 =	vadd.f32 v41, v0;
	v1 =	vadd.f32 v38, v1  }
0xff: {  	v44 =	vld [tilespmem:s17+$0x40]  }
0x100: {  	v45 =	vmul.f32 v40, v40;
	v0 =	vadd.f32 v43, v0;
	v1 =	vadd.f32 v40, v1  }
0x101: {  	v46 =	vld [tilespmem:s17+$0x50]  }
0x102: {  	v47 =	vmul.f32 v42, v42;
	v0 =	vadd.f32 v45, v0;
	v1 =	vadd.f32 v42, v1  }
0x103: {  	v48 =	vld [tilespmem:s17+$0x60]  }
0x104: {  	v49 =	vmul.f32 v44, v44;
	v0 =	vadd.f32 v47, v0;
	v1 =	vadd.f32 v44, v1  }
0x105: {  	v50 =	vld [tilespmem:s17+$0x70]  }
0x106: {  	v51 =	vmul.f32 v46, v46;
	v0 =	vadd.f32 v49, v0;
	v1 =	vadd.f32 v46, v1  }
0x107: {  	v52 =	vld [tilespmem:s17+$0x80]  }
0x108: {  	v53 =	vmul.f32 v48, v48;
	v0 =	vadd.f32 v51, v0;
	v1 =	vadd.f32 v48, v1  }
0x109: {  	v54 =	vld [tilespmem:s17+$0x90]  }
0x10a: {  	v55 =	vmul.f32 v50, v50;
	v0 =	vadd.f32 v53, v0;
	v1 =	vadd.f32 v50, v1  }
0x10b: {  	v56 =	vld [tilespmem:s17+$0xA0]  }
0x10c: {  	v57 =	vmul.f32 v52, v52;
	v0 =	vadd.f32 v55, v0;
	v1 =	vadd.f32 v52, v1  }
0x10d: {  	v58 =	vld [tilespmem:s17+$0xB0]  }
0x10e: {  	v59 =	vmul.f32 v54, v54;
	v0 =	vadd.f32 v57, v0;
	v1 =	vadd.f32 v54, v1  }
0x10f: {  	v60 =	vld [tilespmem:s17+$0xC0]  }
0x110: {  	v61 =	vmul.f32 v56, v56;
	v0 =	vadd.f32 v59, v0;
	v1 =	vadd.f32 v56, v1;
	_ =	sdelay $0x1  }
0x111: {  	v62 =	vmul.f32 v58, v58;
	v0 =	vadd.f32 v61, v0;
	v1 =	vadd.f32 v58, v1;
	_ =	sdelay $0x1  }
0x112: {  	v63 =	vmul.f32 v60, v60;
	v0 =	vadd.f32 v62, v0;
	v1 =	vadd.f32 v60, v1;
	_ =	sdelay $0x1  }
0x113: {  	v0 =	vadd.f32 v63, v0;
	v1 =	vmul.f32 v1, v1;
	_ =	sdelay $0x1  }
0x114: {  	v0 =	vsub.f32 v1, v0;
	_ =	sdelay $0x1  }
0x115: {  	s15 =	sadd.s32 $0x1, s15;
	v0 =	vmul.f32 $5.000000000e-01, v0  }
0x116: {  	s16 =	sshra.s32 s16, $0x2;
	p0 =	sne.s32 s15, s7  }
.Ltmp2:
0x117: {  	[tilespmem:s16+$0xEA00] =	vst v0;
	(pc) =	sbr.rel @p0 .LBB2_1-.Ltmp2, $4  }
0x118: {  	[hbm4b:s6+s3] =	stream.linear.scatter [tilespmem:s14], [sflag:$0x2], $0x800, $0x38;
	[tilespmem:$0xF200] =	vst v63  }
0x119: {  	_ =	swait.ge [sflag:s8], $0x800  }
0x11a: {  	[sflag:s8] =	ssyncset.done $0x0  }
0x11b: {  	[sflag:s8] =	ssyncadd.s32 $0xFFFFF800  }
0x11c: {  	_ =	sfence.sel $0x180000  }
0x11d: {  	[bflag:$0x0] =	sbarrier.arrive $0xFFFF  }
0x11e: {  	_ =	strace $0x90000047  }
0x11f: {  	s0 =	stileid.u32;
	[bflag:$0x2] =	sbarrier.arrive $0xFFFF  }
0x120: {  	p0 =	sne.s32 s0, $0x0;
	s0 =	rddreg [dreg:$0x2]  }
0x121: {  	s0 =	sadd.s32 @!p0 $0x100000, s0  }
0x122: {  	[sflag:s0] =	ssyncadd.tile.s32 @!p0 $0x1;
	_ =	shalt  }
.Lfunc_end2:
_tile_overlayer_lowered:
.L_overlay_start_2:
0x123: {  	(tag) =	ssettag $0x2  }
0x124: {  	s0 =	rddreg [dreg:$0x0];
	s2 =	stileid.u32  }
0x125: {  	s1 =	rddreg [dreg:$0x1];
	p0 =	sne.s32 s2, $0x0  }
0x126: {  	s3 =	rddreg [dreg:$0x2];
	[bflag:$0x3] =	sbarrier.arrive $0xFFFF;
	s2 =	simm.s32 @!p0 $0x1C02  }
0x127: {  	[timem:s3], [sflag:s2] =	dma.local @!p0 [hbm:s0], s1  }
0x128: {  	s0 =	simm.s32 @!p0 $0x2  }
0x129: {  	_ =	swait.ge @!p0 [sflag:s0], s1  }
0x12a: {  	s1 =	ssub.s32 @!p0 $0x0, s1;
	[sflag:s0] =	ssyncset.done @!p0 $0x0  }
0x12b: {  	[sflag:s0] =	ssyncadd.s32 @!p0 s1  }
0x12c: {  	[bflag:$0x3] =	sbarrier.arrive $0xFFFF  }
0x12d: {  	_ =	shalt  }

</sc_bundles>
